<compile_context>
chip_gen: v7x
topology: tpu7x:2x2x1
jax: 0.10.2.dev20260603
libtpu: 0.0.44.dev20260713+nightly
codegen_flags: <defaults>
</compile_context>

<pallas_src>
import jax
import jax.numpy as jnp
from jax import lax
from jax.experimental import pallas as pl
from jax.experimental.pallas import tpu as pltpu
from jax.experimental.pallas import tpu_sc as plsc

N = 320000
D = 128
S = 10000
NC = 2
NT = 16
BS = 40
H = S // NC
B = 128
RPT = N // NT
NB = RPT // B
NBUF = 4
PF = 2
TAIL_BASE = NT * NB * B
TAIL_BATCHES = (N - TAIL_BASE) // B
ACC_ROWS = 5120
ZPT = ACC_ROWS // NT
WCHUNKS = H // BS
DIV_M = (1 << 21) // BS + 1


def _div_bs(x):
    return (x * DIV_M) >> 21


def _seg_sum_body(data_hbm, ids_hbm, out_hbm, ids_buf, ids_x, datas, idxs,
                  klist, acc, sems_in, sems_s):
    cid = lax.axis_index("c")
    tid = lax.axis_index("s")

    ids_desc = pltpu.async_copy(ids_hbm.at[pl.ds(tid * NB * B, NB * B)],
                                ids_buf, sems_in[0])

    def zrow(i, _):
        def zcol(j, _):
            datas[0][i, pl.ds(j * 16, 16)] = jnp.zeros((16,), jnp.float32)
            return 0
        return lax.fori_loop(0, D // 16, zcol, 0)
    lax.fori_loop(0, B, zrow, 0)
    z0 = tid * ZPT
    zd0 = pltpu.async_copy(datas[0], acc.at[pl.ds(z0, B)], sems_s[0])
    zd1 = pltpu.async_copy(datas[0], acc.at[pl.ds(z0 + B, B)], sems_s[0])
    zd2 = pltpu.async_copy(datas[0].at[pl.ds(0, ZPT - 2 * B)],
                           acc.at[pl.ds(z0 + 2 * B, ZPT - 2 * B)], sems_s[0])

    ids_desc.wait()

    def gen_idx(ids_ref, o, idx_b):
        def cchunk(j, _):
            ids16 = ids_ref[pl.ds(o + j * 16, 16)]
            blk = _div_bs(ids16)
            rel = (blk >> 1) * BS + (ids16 - blk * BS)
            own = (blk & 1) == cid
            idx_b[pl.ds(j * 16, 16)] = jnp.where(own, rel, H)
            return 0
        lax.fori_loop(0, B // 16, cchunk, 0)

    def owned_cond(ids_ref, o):
        first = ids_ref[pl.ds(o, 16)][0]
        last = ids_ref[pl.ds(o + B - 16, 16)][15]
        fb = _div_bs(first)
        lb = _div_bs(last)
        return (lb > fb) | ((fb & 1) == cid)

    def scan_chunk(k, m):
        c = owned_cond(ids_buf, k * B)

        @pl.when(c)
        def _():
            klist[m] = k
        return jnp.where(c, m + 1, m)
    M = lax.fori_loop(0, NB, scan_chunk, jnp.int32(0))

    zd0.wait()
    zd1.wait()
    zd2.wait()
    plsc.subcore_barrier()

    def issue_in(i, b):
        k = klist[i]
        pltpu.async_copy(data_hbm.at[pl.ds((tid * NB + k) * B, B)],
                         datas[b], sems_in[b])

    def drain_scatter(b):
        pltpu.make_async_copy(datas[b], acc.at[idxs[b]], sems_s[b]).wait()

    for b in range(PF):
        @pl.when(b < M)
        def _(b=b):
            issue_in(b, b)

    def group(g, _):
        for b in range(NBUF):
            i = g * NBUF + b
            pre = i + PF
            bp = (b + PF) % NBUF

            @pl.when(pre < M)
            def _(pre=pre, bp=bp):
                @pl.when(pre >= NBUF)
                def _():
                    drain_scatter(bp)
                issue_in(pre, bp)

            @pl.when(i < M)
            def _(i=i, b=b):
                pltpu.make_async_copy(
                    data_hbm.at[pl.ds(0, B)], datas[b], sems_in[b]).wait()
                gen_idx(ids_buf, klist[i] * B, idxs[b])
                pltpu.async_copy(datas[b], acc.at[idxs[b]], sems_s[b],
                                 add=True)
        return 0
    lax.fori_loop(0, -(-NB // NBUF), group, 0)

    for b in range(NBUF):
        @pl.when(b < M)
        def _(b=b):
            drain_scatter(b)

    @pl.when(tid < TAIL_BATCHES)
    def _():
        row0 = TAIL_BASE + tid * B
        pltpu.sync_copy(ids_hbm.at[pl.ds(row0, B)], ids_x)

        @pl.when(owned_cond(ids_x, 0))
        def _():
            pltpu.sync_copy(data_hbm.at[pl.ds(row0, B)], datas[0])
            gen_idx(ids_x, 0, idxs[0])
            pltpu.sync_copy(datas[0], acc.at[idxs[0]], add=True)

    plsc.subcore_barrier()

    def wout(c, _):
        chunk = tid + NT * c

        @pl.when(chunk < WCHUNKS)
        def _():
            pltpu.sync_copy(acc.at[pl.ds(chunk * BS, BS)],
                            out_hbm.at[pl.ds((2 * chunk + cid) * BS, BS)])
        return 0
    lax.fori_loop(0, -(-WCHUNKS // NT), wout, 0)


_seg_sum = pl.kernel(
    _seg_sum_body,
    out_type=jax.ShapeDtypeStruct((S, D), jnp.float32),
    mesh=plsc.VectorSubcoreMesh(core_axis_name="c", subcore_axis_name="s"),
    scratch_types=[
        pltpu.VMEM((NB * B,), jnp.int32),
        pltpu.VMEM((B,), jnp.int32),
        [pltpu.VMEM((B, D), jnp.float32) for _ in range(NBUF)],
        [pltpu.VMEM((B,), jnp.int32) for _ in range(NBUF)],
        pltpu.SMEM((NB,), jnp.int32),
        pltpu.VMEM_SHARED((ACC_ROWS, D), jnp.float32),
        [pltpu.SemaphoreType.DMA for _ in range(NBUF)],
        [pltpu.SemaphoreType.DMA for _ in range(NBUF)],
    ],
)


def kernel(data, segment_ids):
    return _seg_sum(data, segment_ids)

# --- scband reference (transcript-rebuilt; emitter-appended) ---
"""Pipeline reference for scband-scatter-base-44306882626268 (READ-ONLY COPY).

The authoritative reference and input builder live on the scoring server;
editing this copy changes nothing except your own understanding.
"""

import jax, jax.numpy as jnp
import numpy as np

NUM_SEGMENTS = 10000
N = 320000
D = 128

def setup_inputs(seed: int = 0) -> dict:
    key = jax.random.key(seed)
    k1, k2 = jax.random.split(key)
    data = jax.random.normal(k1, (N, D), dtype=jnp.float32)
    segment_ids = jnp.sort(jax.random.randint(k2, (N,), 0, NUM_SEGMENTS, dtype=jnp.int32))
    return {"data": data, "segment_ids": segment_ids}

def reference(data, segment_ids):
    # _ScatterBase with reduce='sum': scatter-add rows of `data` into
    # output[index.max()+1, d] along dim 0, indexed by the fixed `index` parameter.
    out = jax.ops.segment_sum(data, segment_ids, num_segments=NUM_SEGMENTS)
    return out

if __name__ == "__main__":
    import jax
    _d = setup_inputs()
    print(jax.jit(kernel)(*tuple(_d.values())))

</pallas_src>

<mosaic_0001>
#map = affine_map<(d0, d1) -> (0, 0)>
#map1 = affine_map<(d0, d1) -> (0)>
module attributes {stable_mosaic.version = 14 : i64} {
  func.func @_seg_sum_body(%arg0: i32, %arg1: i32, %arg2: memref<320000x128xf32, #tpu.memory_space<hbm>>, %arg3: memref<320000xi32, #tpu.memory_space<hbm>>, %arg4: memref<10000x128xf32, #tpu.memory_space<hbm>>, %arg5: memref<19968xi32, #tpu.memory_space<vmem>>, %arg6: memref<128xi32, #tpu.memory_space<vmem>>, %arg7: memref<128x128xf32, #tpu.memory_space<vmem>>, %arg8: memref<128x128xf32, #tpu.memory_space<vmem>>, %arg9: memref<128x128xf32, #tpu.memory_space<vmem>>, %arg10: memref<128x128xf32, #tpu.memory_space<vmem>>, %arg11: memref<128xi32, #tpu.memory_space<vmem>>, %arg12: memref<128xi32, #tpu.memory_space<vmem>>, %arg13: memref<128xi32, #tpu.memory_space<vmem>>, %arg14: memref<128xi32, #tpu.memory_space<vmem>>, %arg15: memref<156xi32, #tpu.memory_space<smem>>, %arg16: memref<5120x128xf32, #tpu.memory_space<vmem_shared>>, %arg17: memref<!tpu.dma_semaphore, #tpu.memory_space<semaphore_mem>>, %arg18: memref<!tpu.dma_semaphore, #tpu.memory_space<semaphore_mem>>, %arg19: memref<!tpu.dma_semaphore, #tpu.memory_space<semaphore_mem>>, %arg20: memref<!tpu.dma_semaphore, #tpu.memory_space<semaphore_mem>>, %arg21: memref<!tpu.dma_semaphore, #tpu.memory_space<semaphore_mem>>, %arg22: memref<!tpu.dma_semaphore, #tpu.memory_space<semaphore_mem>>, %arg23: memref<!tpu.dma_semaphore, #tpu.memory_space<semaphore_mem>>, %arg24: memref<!tpu.dma_semaphore, #tpu.memory_space<semaphore_mem>>) attributes {dimension_semantics = [#tpu.dimension_semantics<core_parallel>, #tpu.dimension_semantics<subcore_parallel>], iteration_bounds = array<i64: 2, 16>, scalar_prefetch = 0 : i64, scratch_operands = 20 : i64, tpu.core_type = #tpu.core_type<sc_vector_subcore>, window_params = [{transform_indices = #map}, {transform_indices = #map1}, {transform_indices = #map}]} {
    %mul3A = arith.constant 156 : i32
    %mul3A_0 = arith.muli %arg1, %mul3A : i32
    %mul3A_1 = arith.constant 128 : i32
    %mul3A_2 = arith.muli %mul3A_0, %mul3A_1 : i32
    %dma_start3A = tpu.memref_slice %arg3[%mul3A_2] : memref<320000xi32, #tpu.memory_space<hbm>> -> memref<19968xi32, #tpu.memory_space<hbm>>
    %dma_start3A_3 = tpu.memref_slice %arg3[%mul3A_2] : memref<320000xi32, #tpu.memory_space<hbm>> -> memref<19968xi32, #tpu.memory_space<hbm>>
    tpu.enqueue_dma source(%dma_start3A_3 : memref<19968xi32, #tpu.memory_space<hbm>>) target(%arg5 : memref<19968xi32, #tpu.memory_space<vmem>>) target_semaphore(%arg17 : memref<!tpu.dma_semaphore, #tpu.memory_space<semaphore_mem>>)
    %scan3A = arith.constant 0 : i32
    %scan3A_4 = arith.constant 0 : i32
    %scan3A_5 = arith.constant 128 : i32
    %scan3A_6 = arith.addi %scan3A_4, %scan3A_5 : i32
    %scan3A_7 = arith.constant 1 : i32
    %scan3A_8 = scf.for %scan3A_105 = %scan3A_4 to %scan3A_6 step %scan3A_7 iter_args(%scan3A_106 = %scan3A) -> (i32)  : i32 {
      %scan3A_107 = arith.constant 0 : i32
      %scan3A_108 = arith.constant 0 : i32
      %scan3A_109 = arith.constant 8 : i32
      %scan3A_110 = arith.addi %scan3A_108, %scan3A_109 : i32
      %scan3A_111 = arith.constant 1 : i32
      %scan3A_112 = scf.for %scan3A_114 = %scan3A_108 to %scan3A_110 step %scan3A_111 iter_args(%scan3A_115 = %scan3A_107) -> (i32)  : i32 {
        %broadcast_in_dim3A = arith.constant 0.000000e+00 : f32
        %broadcast_in_dim3A_116 = vector.broadcast %broadcast_in_dim3A : f32 to vector<16xf32>
        %mul3A_117 = arith.constant 16 : i32
        %mul3A_118 = arith.muli %scan3A_114, %mul3A_117 : i32
        %swap3A = arith.index_cast %scan3A_105 : i32 to index
        %swap3A_119 = arith.index_cast %mul3A_118 : i32 to index
        %swap3A_120 = tpu.vector_load %arg7[%swap3A, %swap3A_119] {strides = array<i32>} : memref<128x128xf32, #tpu.memory_space<vmem>>, vector<1x16xf32>,
        %swap3A_121 = vector.shape_cast %swap3A_120 : vector<1x16xf32> to vector<16xf32>
        %swap3A_122 = vector.shape_cast %broadcast_in_dim3A_116 : vector<16xf32> to vector<1x16xf32>
        tpu.vector_store %arg7[%swap3A, %swap3A_119], %swap3A_122 {strides = array<i32>} : memref<128x128xf32, #tpu.memory_space<vmem>>, vector<1x16xf32>,
        %scan3A_123 = arith.constant 0 : i32
        scf.yield %scan3A_123 : i32
      }
      %scan3A_113 = arith.constant 8 : i32
      scf.yield %scan3A_112 : i32
    }
    %scan3A_9 = arith.constant 128 : i32
    %mul3A_10 = arith.constant 320 : i32
    %mul3A_11 = arith.muli %arg1, %mul3A_10 : i32
    %dma_start3A_12 = arith.constant 0 : i32
    %dma_start3A_13 = tpu.memref_slice %arg16[%mul3A_11, %dma_start3A_12] : memref<5120x128xf32, #tpu.memory_space<vmem_shared>> -> memref<128x128xf32, #tpu.memory_space<vmem_shared>>
    %dma_start3A_14 = arith.constant 0 : i32
    %dma_start3A_15 = tpu.memref_slice %arg16[%mul3A_11, %dma_start3A_14] : memref<5120x128xf32, #tpu.memory_space<vmem_shared>> -> memref<128x128xf32, #tpu.memory_space<vmem_shared>>
    tpu.enqueue_dma source(%arg7 : memref<128x128xf32, #tpu.memory_space<vmem>>) target(%dma_start3A_15 : memref<128x128xf32, #tpu.memory_space<vmem_shared>>) target_semaphore(%arg21 : memref<!tpu.dma_semaphore, #tpu.memory_space<semaphore_mem>>)
    %add3A = arith.constant 128 : i32
    %add3A_16 = arith.addi %mul3A_11, %add3A : i32
    %dma_start3A_17 = arith.constant 0 : i32
    %dma_start3A_18 = tpu.memref_slice %arg16[%add3A_16, %dma_start3A_17] : memref<5120x128xf32, #tpu.memory_space<vmem_shared>> -> memref<128x128xf32, #tpu.memory_space<vmem_shared>>
    %dma_start3A_19 = arith.constant 0 : i32
    %dma_start3A_20 = tpu.memref_slice %arg16[%add3A_16, %dma_start3A_19] : memref<5120x128xf32, #tpu.memory_space<vmem_shared>> -> memref<128x128xf32, #tpu.memory_space<vmem_shared>>
    tpu.enqueue_dma source(%arg7 : memref<128x128xf32, #tpu.memory_space<vmem>>) target(%dma_start3A_20 : memref<128x128xf32, #tpu.memory_space<vmem_shared>>) target_semaphore(%arg21 : memref<!tpu.dma_semaphore, #tpu.memory_space<semaphore_mem>>)
    %add3A_21 = arith.constant 256 : i32
    %add3A_22 = arith.addi %mul3A_11, %add3A_21 : i32
    %dma_start3A_23 = arith.constant 0 : i32
    %dma_start3A_24 = arith.constant 0 : i32
    %dma_start3A_25 = tpu.memref_slice %arg7[%dma_start3A_23, %dma_start3A_24] : memref<128x128xf32, #tpu.memory_space<vmem>> -> memref<64x128xf32, #tpu.memory_space<vmem>>
    %dma_start3A_26 = arith.constant 0 : i32
    %dma_start3A_27 = tpu.memref_slice %arg16[%add3A_22, %dma_start3A_26] : memref<5120x128xf32, #tpu.memory_space<vmem_shared>> -> memref<64x128xf32, #tpu.memory_space<vmem_shared>>
    %dma_start3A_28 = arith.constant 0 : i32
    %dma_start3A_29 = tpu.memref_slice %arg16[%add3A_22, %dma_start3A_28] : memref<5120x128xf32, #tpu.memory_space<vmem_shared>> -> memref<64x128xf32, #tpu.memory_space<vmem_shared>>
    %dma_start3A_30 = arith.constant 0 : i32
    %dma_start3A_31 = arith.constant 0 : i32
    %dma_start3A_32 = tpu.memref_slice %arg7[%dma_start3A_30, %dma_start3A_31] : memref<128x128xf32, #tpu.memory_space<vmem>> -> memref<64x128xf32, #tpu.memory_space<vmem>>
    tpu.enqueue_dma source(%dma_start3A_32 : memref<64x128xf32, #tpu.memory_space<vmem>>) target(%dma_start3A_29 : memref<64x128xf32, #tpu.memory_space<vmem_shared>>) target_semaphore(%arg21 : memref<!tpu.dma_semaphore, #tpu.memory_space<semaphore_mem>>)
    %dma_wait3A = tpu.memref_slice %arg3[%mul3A_2] : memref<320000xi32, #tpu.memory_space<hbm>> -> memref<19968xi32, #tpu.memory_space<hbm>>
    %dma_wait3A_33 = tpu.memref_slice %arg3[%mul3A_2] : memref<320000xi32, #tpu.memory_space<hbm>> -> memref<19968xi32, #tpu.memory_space<hbm>>
    tpu.wait_dma2 semaphore(%arg17 : memref<!tpu.dma_semaphore, #tpu.memory_space<semaphore_mem>>) src(%dma_wait3A_33 : memref<19968xi32, #tpu.memory_space<hbm>>) dst(%arg5 : memref<19968xi32, #tpu.memory_space<vmem>>)
    %scan3A_34 = arith.constant 0 : i32
    %scan3A_35 = arith.constant 0 : i32
    %scan3A_36 = arith.constant 156 : i32
    %scan3A_37 = arith.addi %scan3A_35, %scan3A_36 : i32
    %scan3A_38 = arith.constant 1 : i32
    %scan3A_39 = scf.for %scan3A_105 = %scan3A_35 to %scan3A_37 step %scan3A_38 iter_args(%scan3A_106 = %scan3A_34) -> (i32)  : i32 {
      %mul3A_107 = arith.constant 128 : i32
      %mul3A_108 = arith.muli %scan3A_105, %mul3A_107 : i32
      %get3A = arith.index_cast %mul3A_108 : i32 to index
      %get3A_109 = tpu.vector_load %arg5[%get3A] {strides = array<i32>} : memref<19968xi32, #tpu.memory_space<vmem>>, vector<16xi32>,
      %get3A_110 = vector.shape_cast %get3A_109 : vector<16xi32> to vector<16xi32>
      %slice3A = vector.extract_strided_slice %get3A_110 {offsets = [0], sizes = [1], strides = [1]} : vector<16xi32> to vector<1xi32>
      %squeeze3A = vector.extract %slice3A[0] : i32 from vector<1xi32>
      %add3A_111 = arith.constant 128 : i32
      %add3A_112 = arith.addi %mul3A_108, %add3A_111 : i32
      %sub3A = arith.constant 16 : i32
      %sub3A_113 = arith.subi %add3A_112, %sub3A : i32
      %get3A_114 = arith.index_cast %sub3A_113 : i32 to index
      %get3A_115 = tpu.vector_load %arg5[%get3A_114] {strides = array<i32>} : memref<19968xi32, #tpu.memory_space<vmem>>, vector<16xi32>,
      %get3A_116 = vector.shape_cast %get3A_115 : vector<16xi32> to vector<16xi32>
      %slice3A_117 = vector.extract_strided_slice %get3A_116 {offsets = [15], sizes = [1], strides = [1]} : vector<16xi32> to vector<1xi32>
      %squeeze3A_118 = vector.extract %slice3A_117[0] : i32 from vector<1xi32>
      %mul3A_119 = arith.constant 52429 : i32
      %mul3A_120 = arith.muli %squeeze3A, %mul3A_119 : i32
      %shift_right_arithmetic3A = arith.constant 21 : i32
      %shift_right_arithmetic3A_121 = arith.shrsi %mul3A_120, %shift_right_arithmetic3A : i32
      %mul3A_122 = arith.constant 52429 : i32
      %mul3A_123 = arith.muli %squeeze3A_118, %mul3A_122 : i32
      %shift_right_arithmetic3A_124 = arith.constant 21 : i32
      %shift_right_arithmetic3A_125 = arith.shrsi %mul3A_123, %shift_right_arithmetic3A_124 : i32
      %gt3A_126 = arith.cmpi sgt, %shift_right_arithmetic3A_125, %shift_right_arithmetic3A_121 : i32
      %and3A = arith.constant 1 : i32
      %and3A_127 = arith.andi %shift_right_arithmetic3A_121, %and3A : i32
      %eq3A = arith.cmpi eq, %and3A_127, %arg0 : i32
      %or3A = arith.ori %gt3A_126, %eq3A : i1
      %convert_element_type3A_128 = arith.extui %or3A : i1 to i32
      %cond3A_129 = arith.constant 0 : i32
      %cond3A_130 = arith.cmpi ne, %convert_element_type3A_128, %cond3A_129 : i32
      scf.if %cond3A_130 {
        %swap3A = arith.index_cast %scan3A_106 : i32 to index
        %swap3A_133 = memref.load %arg15[%swap3A] : memref<156xi32, #tpu.memory_space<smem>>
        memref.store %scan3A_105, %arg15[%swap3A] : memref<156xi32, #tpu.memory_space<smem>>
      } else {
      }
      %add3A_131 = arith.constant 1 : i32
      %add3A_132 = arith.addi %scan3A_106, %add3A_131 : i32
      %select_n3A = arith.select %or3A, %add3A_132, %scan3A_106 : i32
      scf.yield %select_n3A : i32
    }
    %scan3A_40 = arith.constant 156 : i32
    %dma_wait3A_41 = arith.constant 0 : i32
    %dma_wait3A_42 = tpu.memref_slice %arg16[%mul3A_11, %dma_wait3A_41] : memref<5120x128xf32, #tpu.memory_space<vmem_shared>> -> memref<128x128xf32, #tpu.memory_space<vmem_shared>>
    %dma_wait3A_43 = arith.constant 0 : i32
    %dma_wait3A_44 = tpu.memref_slice %arg16[%mul3A_11, %dma_wait3A_43] : memref<5120x128xf32, #tpu.memory_space<vmem_shared>> -> memref<128x128xf32, #tpu.memory_space<vmem_shared>>
    tpu.wait_dma2 semaphore(%arg21 : memref<!tpu.dma_semaphore, #tpu.memory_space<semaphore_mem>>) src(%arg7 : memref<128x128xf32, #tpu.memory_space<vmem>>) dst(%dma_wait3A_44 : memref<128x128xf32, #tpu.memory_space<vmem_shared>>)
    %dma_wait3A_45 = arith.constant 0 : i32
    %dma_wait3A_46 = tpu.memref_slice %arg16[%add3A_16, %dma_wait3A_45] : memref<5120x128xf32, #tpu.memory_space<vmem_shared>> -> memref<128x128xf32, #tpu.memory_space<vmem_shared>>
    %dma_wait3A_47 = arith.constant 0 : i32
    %dma_wait3A_48 = tpu.memref_slice %arg16[%add3A_16, %dma_wait3A_47] : memref<5120x128xf32, #tpu.memory_space<vmem_shared>> -> memref<128x128xf32, #tpu.memory_space<vmem_shared>>
    tpu.wait_dma2 semaphore(%arg21 : memref<!tpu.dma_semaphore, #tpu.memory_space<semaphore_mem>>) src(%arg7 : memref<128x128xf32, #tpu.memory_space<vmem>>) dst(%dma_wait3A_48 : memref<128x128xf32, #tpu.memory_space<vmem_shared>>)
    %dma_wait3A_49 = arith.constant 0 : i32
    %dma_wait3A_50 = arith.constant 0 : i32
    %dma_wait3A_51 = tpu.memref_slice %arg7[%dma_wait3A_49, %dma_wait3A_50] : memref<128x128xf32, #tpu.memory_space<vmem>> -> memref<64x128xf32, #tpu.memory_space<vmem>>
    %dma_wait3A_52 = arith.constant 0 : i32
    %dma_wait3A_53 = tpu.memref_slice %arg16[%add3A_22, %dma_wait3A_52] : memref<5120x128xf32, #tpu.memory_space<vmem_shared>> -> memref<64x128xf32, #tpu.memory_space<vmem_shared>>
    %dma_wait3A_54 = arith.constant 0 : i32
    %dma_wait3A_55 = tpu.memref_slice %arg16[%add3A_22, %dma_wait3A_54] : memref<5120x128xf32, #tpu.memory_space<vmem_shared>> -> memref<64x128xf32, #tpu.memory_space<vmem_shared>>
    %dma_wait3A_56 = arith.constant 0 : i32
    %dma_wait3A_57 = arith.constant 0 : i32
    %dma_wait3A_58 = tpu.memref_slice %arg7[%dma_wait3A_56, %dma_wait3A_57] : memref<128x128xf32, #tpu.memory_space<vmem>> -> memref<64x128xf32, #tpu.memory_space<vmem>>
    tpu.wait_dma2 semaphore(%arg21 : memref<!tpu.dma_semaphore, #tpu.memory_space<semaphore_mem>>) src(%dma_wait3A_58 : memref<64x128xf32, #tpu.memory_space<vmem>>) dst(%dma_wait3A_55 : memref<64x128xf32, #tpu.memory_space<vmem_shared>>)
    %barrier3A = arith.constant 0 : index
    tpu.barrier barrier_id(%barrier3A)
    %gt3A = arith.constant 0 : i32
    %gt3A_59 = arith.cmpi sgt, %scan3A_39, %gt3A : i32
    %convert_element_type3A = arith.extui %gt3A_59 : i1 to i32
    %cond3A = arith.constant 0 : i32
    %cond3A_60 = arith.cmpi ne, %convert_element_type3A, %cond3A : i32
    scf.if %cond3A_60 {
      %get3A = arith.constant 0 : i32
      %get3A_105 = arith.index_cast %get3A : i32 to index
      %get3A_106 = memref.load %arg15[%get3A_105] : memref<156xi32, #tpu.memory_space<smem>>
      %mul3A_107 = arith.constant 156 : i32
      %mul3A_108 = arith.muli %arg1, %mul3A_107 : i32
      %add3A_109 = arith.addi %mul3A_108, %get3A_106 : i32
      %mul3A_110 = arith.constant 128 : i32
      %mul3A_111 = arith.muli %add3A_109, %mul3A_110 : i32
      %dma_start3A_112 = arith.constant 0 : i32
      %dma_start3A_113 = tpu.memref_slice %arg2[%mul3A_111, %dma_start3A_112] : memref<320000x128xf32, #tpu.memory_space<hbm>> -> memref<128x128xf32, #tpu.memory_space<hbm>>
      %dma_start3A_114 = arith.constant 0 : i32
      %dma_start3A_115 = tpu.memref_slice %arg2[%mul3A_111, %dma_start3A_114] : memref<320000x128xf32, #tpu.memory_space<hbm>> -> memref<128x128xf32, #tpu.memory_space<hbm>>
      tpu.enqueue_dma source(%dma_start3A_115 : memref<128x128xf32, #tpu.memory_space<hbm>>) target(%arg7 : memref<128x128xf32, #tpu.memory_space<vmem>>) target_semaphore(%arg17 : memref<!tpu.dma_semaphore, #tpu.memory_space<semaphore_mem>>)
    } else {
    }
    %gt3A_61 = arith.constant 1 : i32
    %gt3A_62 = arith.cmpi sgt, %scan3A_39, %gt3A_61 : i32
    %convert_element_type3A_63 = arith.extui %gt3A_62 : i1 to i32
    %cond3A_64 = arith.constant 0 : i32
    %cond3A_65 = arith.cmpi ne, %convert_element_type3A_63, %cond3A_64 : i32
    scf.if %cond3A_65 {
      %get3A = arith.constant 1 : i32
      %get3A_105 = arith.index_cast %get3A : i32 to index
      %get3A_106 = memref.load %arg15[%get3A_105] : memref<156xi32, #tpu.memory_space<smem>>
      %mul3A_107 = arith.constant 156 : i32
      %mul3A_108 = arith.muli %arg1, %mul3A_107 : i32
      %add3A_109 = arith.addi %mul3A_108, %get3A_106 : i32
      %mul3A_110 = arith.constant 128 : i32
      %mul3A_111 = arith.muli %add3A_109, %mul3A_110 : i32
      %dma_start3A_112 = arith.constant 0 : i32
      %dma_start3A_113 = tpu.memref_slice %arg2[%mul3A_111, %dma_start3A_112] : memref<320000x128xf32, #tpu.memory_space<hbm>> -> memref<128x128xf32, #tpu.memory_space<hbm>>
      %dma_start3A_114 = arith.constant 0 : i32
      %dma_start3A_115 = tpu.memref_slice %arg2[%mul3A_111, %dma_start3A_114] : memref<320000x128xf32, #tpu.memory_space<hbm>> -> memref<128x128xf32, #tpu.memory_space<hbm>>
      tpu.enqueue_dma source(%dma_start3A_115 : memref<128x128xf32, #tpu.memory_space<hbm>>) target(%arg8 : memref<128x128xf32, #tpu.memory_space<vmem>>) target_semaphore(%arg18 : memref<!tpu.dma_semaphore, #tpu.memory_space<semaphore_mem>>)
    } else {
    }
    %scan3A_66 = arith.constant 0 : i32
    %scan3A_67 = arith.constant 0 : i32
    %scan3A_68 = arith.constant 39 : i32
    %scan3A_69 = arith.addi %scan3A_67, %scan3A_68 : i32
    %scan3A_70 = arith.constant 1 : i32
    %scan3A_71 = scf.for %scan3A_105 = %scan3A_67 to %scan3A_69 step %scan3A_70 iter_args(%scan3A_106 = %scan3A_66) -> (i32)  : i32 {
      %mul3A_107 = arith.constant 4 : i32
      %mul3A_108 = arith.muli %scan3A_105, %mul3A_107 : i32
      %add3A_109 = arith.constant 0 : i32
      %add3A_110 = arith.addi %mul3A_108, %add3A_109 : i32
      %add3A_111 = arith.constant 2 : i32
      %add3A_112 = arith.addi %add3A_110, %add3A_111 : i32
      %lt3A_113 = arith.cmpi slt, %add3A_112, %scan3A_39 : i32
      %convert_element_type3A_114 = arith.extui %lt3A_113 : i1 to i32
      %cond3A_115 = arith.constant 0 : i32
      %cond3A_116 = arith.cmpi ne, %convert_element_type3A_114, %cond3A_115 : i32
      scf.if %cond3A_116 {
        %ge3A = arith.constant 4 : i32
        %ge3A_164 = arith.cmpi sge, %add3A_112, %ge3A : i32
        %convert_element_type3A_165 = arith.extui %ge3A_164 : i1 to i32
        %cond3A_166 = arith.constant 0 : i32
        %cond3A_167 = arith.cmpi ne, %convert_element_type3A_165, %cond3A_166 : i32
        scf.if %cond3A_167 {
          %dma_wait3A_178 = arith.constant 0 : i32
          %dma_wait3A_179 = arith.constant 0 : i32
          %dma_wait3A_180 = tpu.memref_slice %arg16[%dma_wait3A_178, %dma_wait3A_179] : memref<5120x128xf32, #tpu.memory_space<vmem_shared>> -> memref<5120x128xf32, #tpu.memory_space<vmem_shared>>
          tpu.wait_indirect_dma semaphore(%arg23 : memref<!tpu.dma_semaphore, #tpu.memory_space<semaphore_mem>>) src(%arg9 : memref<128x128xf32, #tpu.memory_space<vmem>>) dst(%dma_wait3A_180 : memref<5120x128xf32, #tpu.memory_space<vmem_shared>>)
        } else {
        }
        %get3A = arith.index_cast %add3A_112 : i32 to index
        %get3A_168 = memref.load %arg15[%get3A] : memref<156xi32, #tpu.memory_space<smem>>
        %mul3A_169 = arith.constant 156 : i32
        %mul3A_170 = arith.muli %arg1, %mul3A_169 : i32
        %add3A_171 = arith.addi %mul3A_170, %get3A_168 : i32
        %mul3A_172 = arith.constant 128 : i32
        %mul3A_173 = arith.muli %add3A_171, %mul3A_172 : i32
        %dma_start3A_174 = arith.constant 0 : i32
        %dma_start3A_175 = tpu.memref_slice %arg2[%mul3A_173, %dma_start3A_174] : memref<320000x128xf32, #tpu.memory_space<hbm>> -> memref<128x128xf32, #tpu.memory_space<hbm>>
        %dma_start3A_176 = arith.constant 0 : i32
        %dma_start3A_177 = tpu.memref_slice %arg2[%mul3A_173, %dma_start3A_176] : memref<320000x128xf32, #tpu.memory_space<hbm>> -> memref<128x128xf32, #tpu.memory_space<hbm>>
        tpu.enqueue_dma source(%dma_start3A_177 : memref<128x128xf32, #tpu.memory_space<hbm>>) target(%arg9 : memref<128x128xf32, #tpu.memory_space<vmem>>) target_semaphore(%arg19 : memref<!tpu.dma_semaphore, #tpu.memory_space<semaphore_mem>>)
      } else {
      }
      %lt3A_117 = arith.cmpi slt, %add3A_110, %scan3A_39 : i32
      %convert_element_type3A_118 = arith.extui %lt3A_117 : i1 to i32
      %cond3A_119 = arith.constant 0 : i32
      %cond3A_120 = arith.cmpi ne, %convert_element_type3A_118, %cond3A_119 : i32
      scf.if %cond3A_120 {
        %dma_wait3A_164 = arith.constant 0 : i32
        %dma_wait3A_165 = arith.constant 0 : i32
        %dma_wait3A_166 = tpu.memref_slice %arg2[%dma_wait3A_164, %dma_wait3A_165] : memref<320000x128xf32, #tpu.memory_space<hbm>> -> memref<128x128xf32, #tpu.memory_space<hbm>>
        %dma_wait3A_167 = arith.constant 0 : i32
        %dma_wait3A_168 = arith.constant 0 : i32
        %dma_wait3A_169 = tpu.memref_slice %arg2[%dma_wait3A_167, %dma_wait3A_168] : memref<320000x128xf32, #tpu.memory_space<hbm>> -> memref<128x128xf32, #tpu.memory_space<hbm>>
        tpu.wait_dma2 semaphore(%arg17 : memref<!tpu.dma_semaphore, #tpu.memory_space<semaphore_mem>>) src(%dma_wait3A_169 : memref<128x128xf32, #tpu.memory_space<hbm>>) dst(%arg7 : memref<128x128xf32, #tpu.memory_space<vmem>>)
        %get3A = arith.index_cast %add3A_110 : i32 to index
        %get3A_170 = memref.load %arg15[%get3A] : memref<156xi32, #tpu.memory_space<smem>>
        %mul3A_171 = arith.constant 128 : i32
        %mul3A_172 = arith.muli %get3A_170, %mul3A_171 : i32
        %scan3A_173 = arith.constant 0 : i32
        %scan3A_174 = arith.constant 0 : i32
        %scan3A_175 = arith.constant 8 : i32
        %scan3A_176 = arith.addi %scan3A_174, %scan3A_175 : i32
        %scan3A_177 = arith.constant 1 : i32
        %scan3A_178 = scf.for %scan3A_183 = %scan3A_174 to %scan3A_176 step %scan3A_177 iter_args(%scan3A_184 = %scan3A_173) -> (i32)  : i32 {
          %mul3A_185 = arith.constant 16 : i32
          %mul3A_186 = arith.muli %scan3A_183, %mul3A_185 : i32
          %add3A_187 = arith.addi %mul3A_172, %mul3A_186 : i32
          %get3A_188 = arith.index_cast %add3A_187 : i32 to index
          %get3A_189 = tpu.vector_load %arg5[%get3A_188] {strides = array<i32>} : memref<19968xi32, #tpu.memory_space<vmem>>, vector<16xi32>,
          %get3A_190 = vector.shape_cast %get3A_189 : vector<16xi32> to vector<16xi32>
          %mul3A_191 = arith.constant 52429 : i32
          %mul3A_192 = vector.broadcast %mul3A_191 : i32 to vector<16xi32>
          %mul3A_193 = arith.muli %get3A_190, %mul3A_192 : vector<16xi32>
          %shift_right_arithmetic3A = arith.constant 21 : i32
          %shift_right_arithmetic3A_194 = vector.broadcast %shift_right_arithmetic3A : i32 to vector<16xi32>
          %shift_right_arithmetic3A_195 = arith.shrsi %mul3A_193, %shift_right_arithmetic3A_194 : vector<16xi32>
          %shift_right_arithmetic3A_196 = arith.constant 1 : i32
          %shift_right_arithmetic3A_197 = vector.broadcast %shift_right_arithmetic3A_196 : i32 to vector<16xi32>
          %shift_right_arithmetic3A_198 = arith.shrsi %shift_right_arithmetic3A_195, %shift_right_arithmetic3A_197 : vector<16xi32>
          %mul3A_199 = arith.constant 40 : i32
          %mul3A_200 = vector.broadcast %mul3A_199 : i32 to vector<16xi32>
          %mul3A_201 = arith.muli %shift_right_arithmetic3A_198, %mul3A_200 : vector<16xi32>
          %mul3A_202 = arith.constant 40 : i32
          %mul3A_203 = vector.broadcast %mul3A_202 : i32 to vector<16xi32>
          %mul3A_204 = arith.muli %shift_right_arithmetic3A_195, %mul3A_203 : vector<16xi32>
          %sub3A = arith.subi %get3A_190, %mul3A_204 : vector<16xi32>
          %add3A_205 = arith.addi %mul3A_201, %sub3A : vector<16xi32>
          %and3A = arith.constant 1 : i32
          %and3A_206 = vector.broadcast %and3A : i32 to vector<16xi32>
          %and3A_207 = arith.andi %shift_right_arithmetic3A_195, %and3A_206 : vector<16xi32>
          %eq3A = vector.broadcast %arg0 : i32 to vector<16xi32>
          %eq3A_208 = arith.cmpi eq, %and3A_207, %eq3A : vector<16xi32>
          %jit3A = arith.constant 5000 : i32
          %broadcast_in_dim3A = vector.broadcast %jit3A : i32 to vector<16xi32>
          %select_n3A = arith.select %eq3A_208, %add3A_205, %broadcast_in_dim3A : vector<16xi1>, vector<16xi32>
          %mul3A_209 = arith.constant 16 : i32
          %mul3A_210 = arith.muli %scan3A_183, %mul3A_209 : i32
          %swap3A = arith.index_cast %mul3A_210 : i32 to index
          %swap3A_211 = tpu.vector_load %arg11[%swap3A] {strides = array<i32>} : memref<128xi32, #tpu.memory_space<vmem>>, vector<16xi32>,
          %swap3A_212 = vector.shape_cast %swap3A_211 : vector<16xi32> to vector<16xi32>
          %swap3A_213 = vector.shape_cast %select_n3A : vector<16xi32> to vector<16xi32>
          tpu.vector_store %arg11[%swap3A], %swap3A_213 {strides = array<i32>} : memref<128xi32, #tpu.memory_space<vmem>>, vector<16xi32>,
          %scan3A_214 = arith.constant 0 : i32
          scf.yield %scan3A_214 : i32
        }
        %scan3A_179 = arith.constant 8 : i32
        %dma_start3A_180 = arith.constant 0 : i32
        %dma_start3A_181 = arith.constant 0 : i32
        %dma_start3A_182 = tpu.memref_slice %arg16[%dma_start3A_180, %dma_start3A_181] : memref<5120x128xf32, #tpu.memory_space<vmem_shared>> -> memref<5120x128xf32, #tpu.memory_space<vmem_shared>>
        tpu.enqueue_indirect_dma source(%arg7 : memref<128x128xf32, #tpu.memory_space<vmem>>) target(%dma_start3A_182 : memref<5120x128xf32, #tpu.memory_space<vmem_shared>>) offsets(%arg11 : memref<128xi32, #tpu.memory_space<vmem>>) semaphore(%arg21 : memref<!tpu.dma_semaphore, #tpu.memory_space<semaphore_mem>>) {add = true}
      } else {
      }
      %mul3A_121 = arith.constant 4 : i32
      %mul3A_122 = arith.muli %scan3A_105, %mul3A_121 : i32
      %add3A_123 = arith.constant 1 : i32
      %add3A_124 = arith.addi %mul3A_122, %add3A_123 : i32
      %add3A_125 = arith.constant 2 : i32
      %add3A_126 = arith.addi %add3A_124, %add3A_125 : i32
      %lt3A_127 = arith.cmpi slt, %add3A_126, %scan3A_39 : i32
      %convert_element_type3A_128 = arith.extui %lt3A_127 : i1 to i32
      %cond3A_129 = arith.constant 0 : i32
      %cond3A_130 = arith.cmpi ne, %convert_element_type3A_128, %cond3A_129 : i32
      scf.if %cond3A_130 {
        %ge3A = arith.constant 4 : i32
        %ge3A_164 = arith.cmpi sge, %add3A_126, %ge3A : i32
        %convert_element_type3A_165 = arith.extui %ge3A_164 : i1 to i32
        %cond3A_166 = arith.constant 0 : i32
        %cond3A_167 = arith.cmpi ne, %convert_element_type3A_165, %cond3A_166 : i32
        scf.if %cond3A_167 {
          %dma_wait3A_178 = arith.constant 0 : i32
          %dma_wait3A_179 = arith.constant 0 : i32
          %dma_wait3A_180 = tpu.memref_slice %arg16[%dma_wait3A_178, %dma_wait3A_179] : memref<5120x128xf32, #tpu.memory_space<vmem_shared>> -> memref<5120x128xf32, #tpu.memory_space<vmem_shared>>
          tpu.wait_indirect_dma semaphore(%arg24 : memref<!tpu.dma_semaphore, #tpu.memory_space<semaphore_mem>>) src(%arg10 : memref<128x128xf32, #tpu.memory_space<vmem>>) dst(%dma_wait3A_180 : memref<5120x128xf32, #tpu.memory_space<vmem_shared>>)
        } else {
        }
        %get3A = arith.index_cast %add3A_126 : i32 to index
        %get3A_168 = memref.load %arg15[%get3A] : memref<156xi32, #tpu.memory_space<smem>>
        %mul3A_169 = arith.constant 156 : i32
        %mul3A_170 = arith.muli %arg1, %mul3A_169 : i32
        %add3A_171 = arith.addi %mul3A_170, %get3A_168 : i32
        %mul3A_172 = arith.constant 128 : i32
        %mul3A_173 = arith.muli %add3A_171, %mul3A_172 : i32
        %dma_start3A_174 = arith.constant 0 : i32
        %dma_start3A_175 = tpu.memref_slice %arg2[%mul3A_173, %dma_start3A_174] : memref<320000x128xf32, #tpu.memory_space<hbm>> -> memref<128x128xf32, #tpu.memory_space<hbm>>
        %dma_start3A_176 = arith.constant 0 : i32
        %dma_start3A_177 = tpu.memref_slice %arg2[%mul3A_173, %dma_start3A_176] : memref<320000x128xf32, #tpu.memory_space<hbm>> -> memref<128x128xf32, #tpu.memory_space<hbm>>
        tpu.enqueue_dma source(%dma_start3A_177 : memref<128x128xf32, #tpu.memory_space<hbm>>) target(%arg10 : memref<128x128xf32, #tpu.memory_space<vmem>>) target_semaphore(%arg20 : memref<!tpu.dma_semaphore, #tpu.memory_space<semaphore_mem>>)
      } else {
      }
      %lt3A_131 = arith.cmpi slt, %add3A_124, %scan3A_39 : i32
      %convert_element_type3A_132 = arith.extui %lt3A_131 : i1 to i32
      %cond3A_133 = arith.constant 0 : i32
      %cond3A_134 = arith.cmpi ne, %convert_element_type3A_132, %cond3A_133 : i32
      scf.if %cond3A_134 {
        %dma_wait3A_164 = arith.constant 0 : i32
        %dma_wait3A_165 = arith.constant 0 : i32
        %dma_wait3A_166 = tpu.memref_slice %arg2[%dma_wait3A_164, %dma_wait3A_165] : memref<320000x128xf32, #tpu.memory_space<hbm>> -> memref<128x128xf32, #tpu.memory_space<hbm>>
        %dma_wait3A_167 = arith.constant 0 : i32
        %dma_wait3A_168 = arith.constant 0 : i32
        %dma_wait3A_169 = tpu.memref_slice %arg2[%dma_wait3A_167, %dma_wait3A_168] : memref<320000x128xf32, #tpu.memory_space<hbm>> -> memref<128x128xf32, #tpu.memory_space<hbm>>
        tpu.wait_dma2 semaphore(%arg18 : memref<!tpu.dma_semaphore, #tpu.memory_space<semaphore_mem>>) src(%dma_wait3A_169 : memref<128x128xf32, #tpu.memory_space<hbm>>) dst(%arg8 : memref<128x128xf32, #tpu.memory_space<vmem>>)
        %get3A = arith.index_cast %add3A_124 : i32 to index
        %get3A_170 = memref.load %arg15[%get3A] : memref<156xi32, #tpu.memory_space<smem>>
        %mul3A_171 = arith.constant 128 : i32
        %mul3A_172 = arith.muli %get3A_170, %mul3A_171 : i32
        %scan3A_173 = arith.constant 0 : i32
        %scan3A_174 = arith.constant 0 : i32
        %scan3A_175 = arith.constant 8 : i32
        %scan3A_176 = arith.addi %scan3A_174, %scan3A_175 : i32
        %scan3A_177 = arith.constant 1 : i32
        %scan3A_178 = scf.for %scan3A_183 = %scan3A_174 to %scan3A_176 step %scan3A_177 iter_args(%scan3A_184 = %scan3A_173) -> (i32)  : i32 {
          %mul3A_185 = arith.constant 16 : i32
          %mul3A_186 = arith.muli %scan3A_183, %mul3A_185 : i32
          %add3A_187 = arith.addi %mul3A_172, %mul3A_186 : i32
          %get3A_188 = arith.index_cast %add3A_187 : i32 to index
          %get3A_189 = tpu.vector_load %arg5[%get3A_188] {strides = array<i32>} : memref<19968xi32, #tpu.memory_space<vmem>>, vector<16xi32>,
          %get3A_190 = vector.shape_cast %get3A_189 : vector<16xi32> to vector<16xi32>
          %mul3A_191 = arith.constant 52429 : i32
          %mul3A_192 = vector.broadcast %mul3A_191 : i32 to vector<16xi32>
          %mul3A_193 = arith.muli %get3A_190, %mul3A_192 : vector<16xi32>
          %shift_right_arithmetic3A = arith.constant 21 : i32
          %shift_right_arithmetic3A_194 = vector.broadcast %shift_right_arithmetic3A : i32 to vector<16xi32>
          %shift_right_arithmetic3A_195 = arith.shrsi %mul3A_193, %shift_right_arithmetic3A_194 : vector<16xi32>
          %shift_right_arithmetic3A_196 = arith.constant 1 : i32
          %shift_right_arithmetic3A_197 = vector.broadcast %shift_right_arithmetic3A_196 : i32 to vector<16xi32>
          %shift_right_arithmetic3A_198 = arith.shrsi %shift_right_arithmetic3A_195, %shift_right_arithmetic3A_197 : vector<16xi32>
          %mul3A_199 = arith.constant 40 : i32
          %mul3A_200 = vector.broadcast %mul3A_199 : i32 to vector<16xi32>
          %mul3A_201 = arith.muli %shift_right_arithmetic3A_198, %mul3A_200 : vector<16xi32>
          %mul3A_202 = arith.constant 40 : i32
          %mul3A_203 = vector.broadcast %mul3A_202 : i32 to vector<16xi32>
          %mul3A_204 = arith.muli %shift_right_arithmetic3A_195, %mul3A_203 : vector<16xi32>
          %sub3A = arith.subi %get3A_190, %mul3A_204 : vector<16xi32>
          %add3A_205 = arith.addi %mul3A_201, %sub3A : vector<16xi32>
          %and3A = arith.constant 1 : i32
          %and3A_206 = vector.broadcast %and3A : i32 to vector<16xi32>
          %and3A_207 = arith.andi %shift_right_arithmetic3A_195, %and3A_206 : vector<16xi32>
          %eq3A = vector.broadcast %arg0 : i32 to vector<16xi32>
          %eq3A_208 = arith.cmpi eq, %and3A_207, %eq3A : vector<16xi32>
          %jit3A = arith.constant 5000 : i32
          %broadcast_in_dim3A = vector.broadcast %jit3A : i32 to vector<16xi32>
          %select_n3A = arith.select %eq3A_208, %add3A_205, %broadcast_in_dim3A : vector<16xi1>, vector<16xi32>
          %mul3A_209 = arith.constant 16 : i32
          %mul3A_210 = arith.muli %scan3A_183, %mul3A_209 : i32
          %swap3A = arith.index_cast %mul3A_210 : i32 to index
          %swap3A_211 = tpu.vector_load %arg12[%swap3A] {strides = array<i32>} : memref<128xi32, #tpu.memory_space<vmem>>, vector<16xi32>,
          %swap3A_212 = vector.shape_cast %swap3A_211 : vector<16xi32> to vector<16xi32>
          %swap3A_213 = vector.shape_cast %select_n3A : vector<16xi32> to vector<16xi32>
          tpu.vector_store %arg12[%swap3A], %swap3A_213 {strides = array<i32>} : memref<128xi32, #tpu.memory_space<vmem>>, vector<16xi32>,
          %scan3A_214 = arith.constant 0 : i32
          scf.yield %scan3A_214 : i32
        }
        %scan3A_179 = arith.constant 8 : i32
        %dma_start3A_180 = arith.constant 0 : i32
        %dma_start3A_181 = arith.constant 0 : i32
        %dma_start3A_182 = tpu.memref_slice %arg16[%dma_start3A_180, %dma_start3A_181] : memref<5120x128xf32, #tpu.memory_space<vmem_shared>> -> memref<5120x128xf32, #tpu.memory_space<vmem_shared>>
        tpu.enqueue_indirect_dma source(%arg8 : memref<128x128xf32, #tpu.memory_space<vmem>>) target(%dma_start3A_182 : memref<5120x128xf32, #tpu.memory_space<vmem_shared>>) offsets(%arg12 : memref<128xi32, #tpu.memory_space<vmem>>) semaphore(%arg22 : memref<!tpu.dma_semaphore, #tpu.memory_space<semaphore_mem>>) {add = true}
      } else {
      }
      %mul3A_135 = arith.constant 4 : i32
      %mul3A_136 = arith.muli %scan3A_105, %mul3A_135 : i32
      %add3A_137 = arith.constant 2 : i32
      %add3A_138 = arith.addi %mul3A_136, %add3A_137 : i32
      %add3A_139 = arith.constant 2 : i32
      %add3A_140 = arith.addi %add3A_138, %add3A_139 : i32
      %lt3A_141 = arith.cmpi slt, %add3A_140, %scan3A_39 : i32
      %convert_element_type3A_142 = arith.extui %lt3A_141 : i1 to i32
      %cond3A_143 = arith.constant 0 : i32
      %cond3A_144 = arith.cmpi ne, %convert_element_type3A_142, %cond3A_143 : i32
      scf.if %cond3A_144 {
        %ge3A = arith.constant 4 : i32
        %ge3A_164 = arith.cmpi sge, %add3A_140, %ge3A : i32
        %convert_element_type3A_165 = arith.extui %ge3A_164 : i1 to i32
        %cond3A_166 = arith.constant 0 : i32
        %cond3A_167 = arith.cmpi ne, %convert_element_type3A_165, %cond3A_166 : i32
        scf.if %cond3A_167 {
          %dma_wait3A_178 = arith.constant 0 : i32
          %dma_wait3A_179 = arith.constant 0 : i32
          %dma_wait3A_180 = tpu.memref_slice %arg16[%dma_wait3A_178, %dma_wait3A_179] : memref<5120x128xf32, #tpu.memory_space<vmem_shared>> -> memref<5120x128xf32, #tpu.memory_space<vmem_shared>>
          tpu.wait_indirect_dma semaphore(%arg21 : memref<!tpu.dma_semaphore, #tpu.memory_space<semaphore_mem>>) src(%arg7 : memref<128x128xf32, #tpu.memory_space<vmem>>) dst(%dma_wait3A_180 : memref<5120x128xf32, #tpu.memory_space<vmem_shared>>)
        } else {
        }
        %get3A = arith.index_cast %add3A_140 : i32 to index
        %get3A_168 = memref.load %arg15[%get3A] : memref<156xi32, #tpu.memory_space<smem>>
        %mul3A_169 = arith.constant 156 : i32
        %mul3A_170 = arith.muli %arg1, %mul3A_169 : i32
        %add3A_171 = arith.addi %mul3A_170, %get3A_168 : i32
        %mul3A_172 = arith.constant 128 : i32
        %mul3A_173 = arith.muli %add3A_171, %mul3A_172 : i32
        %dma_start3A_174 = arith.constant 0 : i32
        %dma_start3A_175 = tpu.memref_slice %arg2[%mul3A_173, %dma_start3A_174] : memref<320000x128xf32, #tpu.memory_space<hbm>> -> memref<128x128xf32, #tpu.memory_space<hbm>>
        %dma_start3A_176 = arith.constant 0 : i32
        %dma_start3A_177 = tpu.memref_slice %arg2[%mul3A_173, %dma_start3A_176] : memref<320000x128xf32, #tpu.memory_space<hbm>> -> memref<128x128xf32, #tpu.memory_space<hbm>>
        tpu.enqueue_dma source(%dma_start3A_177 : memref<128x128xf32, #tpu.memory_space<hbm>>) target(%arg7 : memref<128x128xf32, #tpu.memory_space<vmem>>) target_semaphore(%arg17 : memref<!tpu.dma_semaphore, #tpu.memory_space<semaphore_mem>>)
      } else {
      }
      %lt3A_145 = arith.cmpi slt, %add3A_138, %scan3A_39 : i32
      %convert_element_type3A_146 = arith.extui %lt3A_145 : i1 to i32
      %cond3A_147 = arith.constant 0 : i32
      %cond3A_148 = arith.cmpi ne, %convert_element_type3A_146, %cond3A_147 : i32
      scf.if %cond3A_148 {
        %dma_wait3A_164 = arith.constant 0 : i32
        %dma_wait3A_165 = arith.constant 0 : i32
        %dma_wait3A_166 = tpu.memref_slice %arg2[%dma_wait3A_164, %dma_wait3A_165] : memref<320000x128xf32, #tpu.memory_space<hbm>> -> memref<128x128xf32, #tpu.memory_space<hbm>>
        %dma_wait3A_167 = arith.constant 0 : i32
        %dma_wait3A_168 = arith.constant 0 : i32
        %dma_wait3A_169 = tpu.memref_slice %arg2[%dma_wait3A_167, %dma_wait3A_168] : memref<320000x128xf32, #tpu.memory_space<hbm>> -> memref<128x128xf32, #tpu.memory_space<hbm>>
        tpu.wait_dma2 semaphore(%arg19 : memref<!tpu.dma_semaphore, #tpu.memory_space<semaphore_mem>>) src(%dma_wait3A_169 : memref<128x128xf32, #tpu.memory_space<hbm>>) dst(%arg9 : memref<128x128xf32, #tpu.memory_space<vmem>>)
        %get3A = arith.index_cast %add3A_138 : i32 to index
        %get3A_170 = memref.load %arg15[%get3A] : memref<156xi32, #tpu.memory_space<smem>>
        %mul3A_171 = arith.constant 128 : i32
        %mul3A_172 = arith.muli %get3A_170, %mul3A_171 : i32
        %scan3A_173 = arith.constant 0 : i32
        %scan3A_174 = arith.constant 0 : i32
        %scan3A_175 = arith.constant 8 : i32
        %scan3A_176 = arith.addi %scan3A_174, %scan3A_175 : i32
        %scan3A_177 = arith.constant 1 : i32
        %scan3A_178 = scf.for %scan3A_183 = %scan3A_174 to %scan3A_176 step %scan3A_177 iter_args(%scan3A_184 = %scan3A_173) -> (i32)  : i32 {
          %mul3A_185 = arith.constant 16 : i32
          %mul3A_186 = arith.muli %scan3A_183, %mul3A_185 : i32
          %add3A_187 = arith.addi %mul3A_172, %mul3A_186 : i32
          %get3A_188 = arith.index_cast %add3A_187 : i32 to index
          %get3A_189 = tpu.vector_load %arg5[%get3A_188] {strides = array<i32>} : memref<19968xi32, #tpu.memory_space<vmem>>, vector<16xi32>,
          %get3A_190 = vector.shape_cast %get3A_189 : vector<16xi32> to vector<16xi32>
          %mul3A_191 = arith.constant 52429 : i32
          %mul3A_192 = vector.broadcast %mul3A_191 : i32 to vector<16xi32>
          %mul3A_193 = arith.muli %get3A_190, %mul3A_192 : vector<16xi32>
          %shift_right_arithmetic3A = arith.constant 21 : i32
          %shift_right_arithmetic3A_194 = vector.broadcast %shift_right_arithmetic3A : i32 to vector<16xi32>
          %shift_right_arithmetic3A_195 = arith.shrsi %mul3A_193, %shift_right_arithmetic3A_194 : vector<16xi32>
          %shift_right_arithmetic3A_196 = arith.constant 1 : i32
          %shift_right_arithmetic3A_197 = vector.broadcast %shift_right_arithmetic3A_196 : i32 to vector<16xi32>
          %shift_right_arithmetic3A_198 = arith.shrsi %shift_right_arithmetic3A_195, %shift_right_arithmetic3A_197 : vector<16xi32>
          %mul3A_199 = arith.constant 40 : i32
          %mul3A_200 = vector.broadcast %mul3A_199 : i32 to vector<16xi32>
          %mul3A_201 = arith.muli %shift_right_arithmetic3A_198, %mul3A_200 : vector<16xi32>
          %mul3A_202 = arith.constant 40 : i32
          %mul3A_203 = vector.broadcast %mul3A_202 : i32 to vector<16xi32>
          %mul3A_204 = arith.muli %shift_right_arithmetic3A_195, %mul3A_203 : vector<16xi32>
          %sub3A = arith.subi %get3A_190, %mul3A_204 : vector<16xi32>
          %add3A_205 = arith.addi %mul3A_201, %sub3A : vector<16xi32>
          %and3A = arith.constant 1 : i32
          %and3A_206 = vector.broadcast %and3A : i32 to vector<16xi32>
          %and3A_207 = arith.andi %shift_right_arithmetic3A_195, %and3A_206 : vector<16xi32>
          %eq3A = vector.broadcast %arg0 : i32 to vector<16xi32>
          %eq3A_208 = arith.cmpi eq, %and3A_207, %eq3A : vector<16xi32>
          %jit3A = arith.constant 5000 : i32
          %broadcast_in_dim3A = vector.broadcast %jit3A : i32 to vector<16xi32>
          %select_n3A = arith.select %eq3A_208, %add3A_205, %broadcast_in_dim3A : vector<16xi1>, vector<16xi32>
          %mul3A_209 = arith.constant 16 : i32
          %mul3A_210 = arith.muli %scan3A_183, %mul3A_209 : i32
          %swap3A = arith.index_cast %mul3A_210 : i32 to index
          %swap3A_211 = tpu.vector_load %arg13[%swap3A] {strides = array<i32>} : memref<128xi32, #tpu.memory_space<vmem>>, vector<16xi32>,
          %swap3A_212 = vector.shape_cast %swap3A_211 : vector<16xi32> to vector<16xi32>
          %swap3A_213 = vector.shape_cast %select_n3A : vector<16xi32> to vector<16xi32>
          tpu.vector_store %arg13[%swap3A], %swap3A_213 {strides = array<i32>} : memref<128xi32, #tpu.memory_space<vmem>>, vector<16xi32>,
          %scan3A_214 = arith.constant 0 : i32
          scf.yield %scan3A_214 : i32
        }
        %scan3A_179 = arith.constant 8 : i32
        %dma_start3A_180 = arith.constant 0 : i32
        %dma_start3A_181 = arith.constant 0 : i32
        %dma_start3A_182 = tpu.memref_slice %arg16[%dma_start3A_180, %dma_start3A_181] : memref<5120x128xf32, #tpu.memory_space<vmem_shared>> -> memref<5120x128xf32, #tpu.memory_space<vmem_shared>>
        tpu.enqueue_indirect_dma source(%arg9 : memref<128x128xf32, #tpu.memory_space<vmem>>) target(%dma_start3A_182 : memref<5120x128xf32, #tpu.memory_space<vmem_shared>>) offsets(%arg13 : memref<128xi32, #tpu.memory_space<vmem>>) semaphore(%arg23 : memref<!tpu.dma_semaphore, #tpu.memory_space<semaphore_mem>>) {add = true}
      } else {
      }
      %mul3A_149 = arith.constant 4 : i32
      %mul3A_150 = arith.muli %scan3A_105, %mul3A_149 : i32
      %add3A_151 = arith.constant 3 : i32
      %add3A_152 = arith.addi %mul3A_150, %add3A_151 : i32
      %add3A_153 = arith.constant 2 : i32
      %add3A_154 = arith.addi %add3A_152, %add3A_153 : i32
      %lt3A_155 = arith.cmpi slt, %add3A_154, %scan3A_39 : i32
      %convert_element_type3A_156 = arith.extui %lt3A_155 : i1 to i32
      %cond3A_157 = arith.constant 0 : i32
      %cond3A_158 = arith.cmpi ne, %convert_element_type3A_156, %cond3A_157 : i32
      scf.if %cond3A_158 {
        %ge3A = arith.constant 4 : i32
        %ge3A_164 = arith.cmpi sge, %add3A_154, %ge3A : i32
        %convert_element_type3A_165 = arith.extui %ge3A_164 : i1 to i32
        %cond3A_166 = arith.constant 0 : i32
        %cond3A_167 = arith.cmpi ne, %convert_element_type3A_165, %cond3A_166 : i32
        scf.if %cond3A_167 {
          %dma_wait3A_178 = arith.constant 0 : i32
          %dma_wait3A_179 = arith.constant 0 : i32
          %dma_wait3A_180 = tpu.memref_slice %arg16[%dma_wait3A_178, %dma_wait3A_179] : memref<5120x128xf32, #tpu.memory_space<vmem_shared>> -> memref<5120x128xf32, #tpu.memory_space<vmem_shared>>
          tpu.wait_indirect_dma semaphore(%arg22 : memref<!tpu.dma_semaphore, #tpu.memory_space<semaphore_mem>>) src(%arg8 : memref<128x128xf32, #tpu.memory_space<vmem>>) dst(%dma_wait3A_180 : memref<5120x128xf32, #tpu.memory_space<vmem_shared>>)
        } else {
        }
        %get3A = arith.index_cast %add3A_154 : i32 to index
        %get3A_168 = memref.load %arg15[%get3A] : memref<156xi32, #tpu.memory_space<smem>>
        %mul3A_169 = arith.constant 156 : i32
        %mul3A_170 = arith.muli %arg1, %mul3A_169 : i32
        %add3A_171 = arith.addi %mul3A_170, %get3A_168 : i32
        %mul3A_172 = arith.constant 128 : i32
        %mul3A_173 = arith.muli %add3A_171, %mul3A_172 : i32
        %dma_start3A_174 = arith.constant 0 : i32
        %dma_start3A_175 = tpu.memref_slice %arg2[%mul3A_173, %dma_start3A_174] : memref<320000x128xf32, #tpu.memory_space<hbm>> -> memref<128x128xf32, #tpu.memory_space<hbm>>
        %dma_start3A_176 = arith.constant 0 : i32
        %dma_start3A_177 = tpu.memref_slice %arg2[%mul3A_173, %dma_start3A_176] : memref<320000x128xf32, #tpu.memory_space<hbm>> -> memref<128x128xf32, #tpu.memory_space<hbm>>
        tpu.enqueue_dma source(%dma_start3A_177 : memref<128x128xf32, #tpu.memory_space<hbm>>) target(%arg8 : memref<128x128xf32, #tpu.memory_space<vmem>>) target_semaphore(%arg18 : memref<!tpu.dma_semaphore, #tpu.memory_space<semaphore_mem>>)
      } else {
      }
      %lt3A_159 = arith.cmpi slt, %add3A_152, %scan3A_39 : i32
      %convert_element_type3A_160 = arith.extui %lt3A_159 : i1 to i32
      %cond3A_161 = arith.constant 0 : i32
      %cond3A_162 = arith.cmpi ne, %convert_element_type3A_160, %cond3A_161 : i32
      scf.if %cond3A_162 {
        %dma_wait3A_164 = arith.constant 0 : i32
        %dma_wait3A_165 = arith.constant 0 : i32
        %dma_wait3A_166 = tpu.memref_slice %arg2[%dma_wait3A_164, %dma_wait3A_165] : memref<320000x128xf32, #tpu.memory_space<hbm>> -> memref<128x128xf32, #tpu.memory_space<hbm>>
        %dma_wait3A_167 = arith.constant 0 : i32
        %dma_wait3A_168 = arith.constant 0 : i32
        %dma_wait3A_169 = tpu.memref_slice %arg2[%dma_wait3A_167, %dma_wait3A_168] : memref<320000x128xf32, #tpu.memory_space<hbm>> -> memref<128x128xf32, #tpu.memory_space<hbm>>
        tpu.wait_dma2 semaphore(%arg20 : memref<!tpu.dma_semaphore, #tpu.memory_space<semaphore_mem>>) src(%dma_wait3A_169 : memref<128x128xf32, #tpu.memory_space<hbm>>) dst(%arg10 : memref<128x128xf32, #tpu.memory_space<vmem>>)
        %get3A = arith.index_cast %add3A_152 : i32 to index
        %get3A_170 = memref.load %arg15[%get3A] : memref<156xi32, #tpu.memory_space<smem>>
        %mul3A_171 = arith.constant 128 : i32
        %mul3A_172 = arith.muli %get3A_170, %mul3A_171 : i32
        %scan3A_173 = arith.constant 0 : i32
        %scan3A_174 = arith.constant 0 : i32
        %scan3A_175 = arith.constant 8 : i32
        %scan3A_176 = arith.addi %scan3A_174, %scan3A_175 : i32
        %scan3A_177 = arith.constant 1 : i32
        %scan3A_178 = scf.for %scan3A_183 = %scan3A_174 to %scan3A_176 step %scan3A_177 iter_args(%scan3A_184 = %scan3A_173) -> (i32)  : i32 {
          %mul3A_185 = arith.constant 16 : i32
          %mul3A_186 = arith.muli %scan3A_183, %mul3A_185 : i32
          %add3A_187 = arith.addi %mul3A_172, %mul3A_186 : i32
          %get3A_188 = arith.index_cast %add3A_187 : i32 to index
          %get3A_189 = tpu.vector_load %arg5[%get3A_188] {strides = array<i32>} : memref<19968xi32, #tpu.memory_space<vmem>>, vector<16xi32>,
          %get3A_190 = vector.shape_cast %get3A_189 : vector<16xi32> to vector<16xi32>
          %mul3A_191 = arith.constant 52429 : i32
          %mul3A_192 = vector.broadcast %mul3A_191 : i32 to vector<16xi32>
          %mul3A_193 = arith.muli %get3A_190, %mul3A_192 : vector<16xi32>
          %shift_right_arithmetic3A = arith.constant 21 : i32
          %shift_right_arithmetic3A_194 = vector.broadcast %shift_right_arithmetic3A : i32 to vector<16xi32>
          %shift_right_arithmetic3A_195 = arith.shrsi %mul3A_193, %shift_right_arithmetic3A_194 : vector<16xi32>
          %shift_right_arithmetic3A_196 = arith.constant 1 : i32
          %shift_right_arithmetic3A_197 = vector.broadcast %shift_right_arithmetic3A_196 : i32 to vector<16xi32>
          %shift_right_arithmetic3A_198 = arith.shrsi %shift_right_arithmetic3A_195, %shift_right_arithmetic3A_197 : vector<16xi32>
          %mul3A_199 = arith.constant 40 : i32
          %mul3A_200 = vector.broadcast %mul3A_199 : i32 to vector<16xi32>
          %mul3A_201 = arith.muli %shift_right_arithmetic3A_198, %mul3A_200 : vector<16xi32>
          %mul3A_202 = arith.constant 40 : i32
          %mul3A_203 = vector.broadcast %mul3A_202 : i32 to vector<16xi32>
          %mul3A_204 = arith.muli %shift_right_arithmetic3A_195, %mul3A_203 : vector<16xi32>
          %sub3A = arith.subi %get3A_190, %mul3A_204 : vector<16xi32>
          %add3A_205 = arith.addi %mul3A_201, %sub3A : vector<16xi32>
          %and3A = arith.constant 1 : i32
          %and3A_206 = vector.broadcast %and3A : i32 to vector<16xi32>
          %and3A_207 = arith.andi %shift_right_arithmetic3A_195, %and3A_206 : vector<16xi32>
          %eq3A = vector.broadcast %arg0 : i32 to vector<16xi32>
          %eq3A_208 = arith.cmpi eq, %and3A_207, %eq3A : vector<16xi32>
          %jit3A = arith.constant 5000 : i32
          %broadcast_in_dim3A = vector.broadcast %jit3A : i32 to vector<16xi32>
          %select_n3A = arith.select %eq3A_208, %add3A_205, %broadcast_in_dim3A : vector<16xi1>, vector<16xi32>
          %mul3A_209 = arith.constant 16 : i32
          %mul3A_210 = arith.muli %scan3A_183, %mul3A_209 : i32
          %swap3A = arith.index_cast %mul3A_210 : i32 to index
          %swap3A_211 = tpu.vector_load %arg14[%swap3A] {strides = array<i32>} : memref<128xi32, #tpu.memory_space<vmem>>, vector<16xi32>,
          %swap3A_212 = vector.shape_cast %swap3A_211 : vector<16xi32> to vector<16xi32>
          %swap3A_213 = vector.shape_cast %select_n3A : vector<16xi32> to vector<16xi32>
          tpu.vector_store %arg14[%swap3A], %swap3A_213 {strides = array<i32>} : memref<128xi32, #tpu.memory_space<vmem>>, vector<16xi32>,
          %scan3A_214 = arith.constant 0 : i32
          scf.yield %scan3A_214 : i32
        }
        %scan3A_179 = arith.constant 8 : i32
        %dma_start3A_180 = arith.constant 0 : i32
        %dma_start3A_181 = arith.constant 0 : i32
        %dma_start3A_182 = tpu.memref_slice %arg16[%dma_start3A_180, %dma_start3A_181] : memref<5120x128xf32, #tpu.memory_space<vmem_shared>> -> memref<5120x128xf32, #tpu.memory_space<vmem_shared>>
        tpu.enqueue_indirect_dma source(%arg10 : memref<128x128xf32, #tpu.memory_space<vmem>>) target(%dma_start3A_182 : memref<5120x128xf32, #tpu.memory_space<vmem_shared>>) offsets(%arg14 : memref<128xi32, #tpu.memory_space<vmem>>) semaphore(%arg24 : memref<!tpu.dma_semaphore, #tpu.memory_space<semaphore_mem>>) {add = true}
      } else {
      }
      %scan3A_163 = arith.constant 0 : i32
      scf.yield %scan3A_163 : i32
    }
    %scan3A_72 = arith.constant 39 : i32
    %gt3A_73 = arith.constant 0 : i32
    %gt3A_74 = arith.cmpi sgt, %scan3A_39, %gt3A_73 : i32
    %convert_element_type3A_75 = arith.extui %gt3A_74 : i1 to i32
    %cond3A_76 = arith.constant 0 : i32
    %cond3A_77 = arith.cmpi ne, %convert_element_type3A_75, %cond3A_76 : i32
    scf.if %cond3A_77 {
      %dma_wait3A_105 = arith.constant 0 : i32
      %dma_wait3A_106 = arith.constant 0 : i32
      %dma_wait3A_107 = tpu.memref_slice %arg16[%dma_wait3A_105, %dma_wait3A_106] : memref<5120x128xf32, #tpu.memory_space<vmem_shared>> -> memref<5120x128xf32, #tpu.memory_space<vmem_shared>>
      tpu.wait_indirect_dma semaphore(%arg21 : memref<!tpu.dma_semaphore, #tpu.memory_space<semaphore_mem>>) src(%arg7 : memref<128x128xf32, #tpu.memory_space<vmem>>) dst(%dma_wait3A_107 : memref<5120x128xf32, #tpu.memory_space<vmem_shared>>)
    } else {
    }
    %gt3A_78 = arith.constant 1 : i32
    %gt3A_79 = arith.cmpi sgt, %scan3A_39, %gt3A_78 : i32
    %convert_element_type3A_80 = arith.extui %gt3A_79 : i1 to i32
    %cond3A_81 = arith.constant 0 : i32
    %cond3A_82 = arith.cmpi ne, %convert_element_type3A_80, %cond3A_81 : i32
    scf.if %cond3A_82 {
      %dma_wait3A_105 = arith.constant 0 : i32
      %dma_wait3A_106 = arith.constant 0 : i32
      %dma_wait3A_107 = tpu.memref_slice %arg16[%dma_wait3A_105, %dma_wait3A_106] : memref<5120x128xf32, #tpu.memory_space<vmem_shared>> -> memref<5120x128xf32, #tpu.memory_space<vmem_shared>>
      tpu.wait_indirect_dma semaphore(%arg22 : memref<!tpu.dma_semaphore, #tpu.memory_space<semaphore_mem>>) src(%arg8 : memref<128x128xf32, #tpu.memory_space<vmem>>) dst(%dma_wait3A_107 : memref<5120x128xf32, #tpu.memory_space<vmem_shared>>)
    } else {
    }
    %gt3A_83 = arith.constant 2 : i32
    %gt3A_84 = arith.cmpi sgt, %scan3A_39, %gt3A_83 : i32
    %convert_element_type3A_85 = arith.extui %gt3A_84 : i1 to i32
    %cond3A_86 = arith.constant 0 : i32
    %cond3A_87 = arith.cmpi ne, %convert_element_type3A_85, %cond3A_86 : i32
    scf.if %cond3A_87 {
      %dma_wait3A_105 = arith.constant 0 : i32
      %dma_wait3A_106 = arith.constant 0 : i32
      %dma_wait3A_107 = tpu.memref_slice %arg16[%dma_wait3A_105, %dma_wait3A_106] : memref<5120x128xf32, #tpu.memory_space<vmem_shared>> -> memref<5120x128xf32, #tpu.memory_space<vmem_shared>>
      tpu.wait_indirect_dma semaphore(%arg23 : memref<!tpu.dma_semaphore, #tpu.memory_space<semaphore_mem>>) src(%arg9 : memref<128x128xf32, #tpu.memory_space<vmem>>) dst(%dma_wait3A_107 : memref<5120x128xf32, #tpu.memory_space<vmem_shared>>)
    } else {
    }
    %gt3A_88 = arith.constant 3 : i32
    %gt3A_89 = arith.cmpi sgt, %scan3A_39, %gt3A_88 : i32
    %convert_element_type3A_90 = arith.extui %gt3A_89 : i1 to i32
    %cond3A_91 = arith.constant 0 : i32
    %cond3A_92 = arith.cmpi ne, %convert_element_type3A_90, %cond3A_91 : i32
    scf.if %cond3A_92 {
      %dma_wait3A_105 = arith.constant 0 : i32
      %dma_wait3A_106 = arith.constant 0 : i32
      %dma_wait3A_107 = tpu.memref_slice %arg16[%dma_wait3A_105, %dma_wait3A_106] : memref<5120x128xf32, #tpu.memory_space<vmem_shared>> -> memref<5120x128xf32, #tpu.memory_space<vmem_shared>>
      tpu.wait_indirect_dma semaphore(%arg24 : memref<!tpu.dma_semaphore, #tpu.memory_space<semaphore_mem>>) src(%arg10 : memref<128x128xf32, #tpu.memory_space<vmem>>) dst(%dma_wait3A_107 : memref<5120x128xf32, #tpu.memory_space<vmem_shared>>)
    } else {
    }
    %lt3A = arith.constant 4 : i32
    %lt3A_93 = arith.cmpi slt, %arg1, %lt3A : i32
    %convert_element_type3A_94 = arith.extui %lt3A_93 : i1 to i32
    %cond3A_95 = arith.constant 0 : i32
    %cond3A_96 = arith.cmpi ne, %convert_element_type3A_94, %cond3A_95 : i32
    scf.if %cond3A_96 {
      %mul3A_105 = arith.constant 128 : i32
      %mul3A_106 = arith.muli %arg1, %mul3A_105 : i32
      %add3A_107 = arith.constant 319488 : i32
      %add3A_108 = arith.addi %add3A_107, %mul3A_106 : i32
      "tpu.region"() ({
        %run_scoped3A = tpu.sem_alloc : memref<!tpu.dma_semaphore, #tpu.memory_space<semaphore_mem>>
        %dma_start3A_128 = tpu.memref_slice %arg3[%add3A_108] : memref<320000xi32, #tpu.memory_space<hbm>> -> memref<128xi32, #tpu.memory_space<hbm>>
        %dma_start3A_129 = tpu.memref_slice %arg3[%add3A_108] : memref<320000xi32, #tpu.memory_space<hbm>> -> memref<128xi32, #tpu.memory_space<hbm>>
        tpu.enqueue_dma source(%dma_start3A_129 : memref<128xi32, #tpu.memory_space<hbm>>) target(%arg6 : memref<128xi32, #tpu.memory_space<vmem>>) target_semaphore(%run_scoped3A : memref<!tpu.dma_semaphore, #tpu.memory_space<semaphore_mem>>)
        %dma_wait3A_130 = tpu.memref_slice %arg3[%add3A_108] : memref<320000xi32, #tpu.memory_space<hbm>> -> memref<128xi32, #tpu.memory_space<hbm>>
        %dma_wait3A_131 = tpu.memref_slice %arg3[%add3A_108] : memref<320000xi32, #tpu.memory_space<hbm>> -> memref<128xi32, #tpu.memory_space<hbm>>
        tpu.wait_dma2 semaphore(%run_scoped3A : memref<!tpu.dma_semaphore, #tpu.memory_space<semaphore_mem>>) src(%dma_wait3A_131 : memref<128xi32, #tpu.memory_space<hbm>>) dst(%arg6 : memref<128xi32, #tpu.memory_space<vmem>>)
        tpu.yield
      }) : () -> ()
      %get3A = arith.constant 0 : index
      %get3A_109 = tpu.vector_load %arg6[%get3A] {strides = array<i32>} : memref<128xi32, #tpu.memory_space<vmem>>, vector<16xi32>,
      %get3A_110 = vector.shape_cast %get3A_109 : vector<16xi32> to vector<16xi32>
      %slice3A = vector.extract_strided_slice %get3A_110 {offsets = [0], sizes = [1], strides = [1]} : vector<16xi32> to vector<1xi32>
      %squeeze3A = vector.extract %slice3A[0] : i32 from vector<1xi32>
      %get3A_111 = arith.constant 112 : index
      %get3A_112 = tpu.vector_load %arg6[%get3A_111] {strides = array<i32>} : memref<128xi32, #tpu.memory_space<vmem>>, vector<16xi32>,
      %get3A_113 = vector.shape_cast %get3A_112 : vector<16xi32> to vector<16xi32>
      %slice3A_114 = vector.extract_strided_slice %get3A_113 {offsets = [15], sizes = [1], strides = [1]} : vector<16xi32> to vector<1xi32>
      %squeeze3A_115 = vector.extract %slice3A_114[0] : i32 from vector<1xi32>
      %mul3A_116 = arith.constant 52429 : i32
      %mul3A_117 = arith.muli %squeeze3A, %mul3A_116 : i32
      %shift_right_arithmetic3A = arith.constant 21 : i32
      %shift_right_arithmetic3A_118 = arith.shrsi %mul3A_117, %shift_right_arithmetic3A : i32
      %mul3A_119 = arith.constant 52429 : i32
      %mul3A_120 = arith.muli %squeeze3A_115, %mul3A_119 : i32
      %shift_right_arithmetic3A_121 = arith.constant 21 : i32
      %shift_right_arithmetic3A_122 = arith.shrsi %mul3A_120, %shift_right_arithmetic3A_121 : i32
      %gt3A_123 = arith.cmpi sgt, %shift_right_arithmetic3A_122, %shift_right_arithmetic3A_118 : i32
      %and3A = arith.constant 1 : i32
      %and3A_124 = arith.andi %shift_right_arithmetic3A_118, %and3A : i32
      %eq3A = arith.cmpi eq, %and3A_124, %arg0 : i32
      %or3A = arith.ori %gt3A_123, %eq3A : i1
      %convert_element_type3A_125 = arith.extui %or3A : i1 to i32
      %cond3A_126 = arith.constant 0 : i32
      %cond3A_127 = arith.cmpi ne, %convert_element_type3A_125, %cond3A_126 : i32
      scf.if %cond3A_127 {
        "tpu.region"() ({
          %run_scoped3A = tpu.sem_alloc : memref<!tpu.dma_semaphore, #tpu.memory_space<semaphore_mem>>
          %dma_start3A_135 = arith.constant 0 : i32
          %dma_start3A_136 = tpu.memref_slice %arg2[%add3A_108, %dma_start3A_135] : memref<320000x128xf32, #tpu.memory_space<hbm>> -> memref<128x128xf32, #tpu.memory_space<hbm>>
          %dma_start3A_137 = arith.constant 0 : i32
          %dma_start3A_138 = tpu.memref_slice %arg2[%add3A_108, %dma_start3A_137] : memref<320000x128xf32, #tpu.memory_space<hbm>> -> memref<128x128xf32, #tpu.memory_space<hbm>>
          tpu.enqueue_dma source(%dma_start3A_138 : memref<128x128xf32, #tpu.memory_space<hbm>>) target(%arg7 : memref<128x128xf32, #tpu.memory_space<vmem>>) target_semaphore(%run_scoped3A : memref<!tpu.dma_semaphore, #tpu.memory_space<semaphore_mem>>)
          %dma_wait3A_139 = arith.constant 0 : i32
          %dma_wait3A_140 = tpu.memref_slice %arg2[%add3A_108, %dma_wait3A_139] : memref<320000x128xf32, #tpu.memory_space<hbm>> -> memref<128x128xf32, #tpu.memory_space<hbm>>
          %dma_wait3A_141 = arith.constant 0 : i32
          %dma_wait3A_142 = tpu.memref_slice %arg2[%add3A_108, %dma_wait3A_141] : memref<320000x128xf32, #tpu.memory_space<hbm>> -> memref<128x128xf32, #tpu.memory_space<hbm>>
          tpu.wait_dma2 semaphore(%run_scoped3A : memref<!tpu.dma_semaphore, #tpu.memory_space<semaphore_mem>>) src(%dma_wait3A_142 : memref<128x128xf32, #tpu.memory_space<hbm>>) dst(%arg7 : memref<128x128xf32, #tpu.memory_space<vmem>>)
          tpu.yield
        }) : () -> ()
        %scan3A_128 = arith.constant 0 : i32
        %scan3A_129 = arith.constant 0 : i32
        %scan3A_130 = arith.constant 8 : i32
        %scan3A_131 = arith.addi %scan3A_129, %scan3A_130 : i32
        %scan3A_132 = arith.constant 1 : i32
        %scan3A_133 = scf.for %scan3A_135 = %scan3A_129 to %scan3A_131 step %scan3A_132 iter_args(%scan3A_136 = %scan3A_128) -> (i32)  : i32 {
          %mul3A_137 = arith.constant 16 : i32
          %mul3A_138 = arith.muli %scan3A_135, %mul3A_137 : i32
          %add3A_139 = arith.constant 0 : i32
          %add3A_140 = arith.addi %add3A_139, %mul3A_138 : i32
          %get3A_141 = arith.index_cast %add3A_140 : i32 to index
          %get3A_142 = tpu.vector_load %arg6[%get3A_141] {strides = array<i32>} : memref<128xi32, #tpu.memory_space<vmem>>, vector<16xi32>,
          %get3A_143 = vector.shape_cast %get3A_142 : vector<16xi32> to vector<16xi32>
          %mul3A_144 = arith.constant 52429 : i32
          %mul3A_145 = vector.broadcast %mul3A_144 : i32 to vector<16xi32>
          %mul3A_146 = arith.muli %get3A_143, %mul3A_145 : vector<16xi32>
          %shift_right_arithmetic3A_147 = arith.constant 21 : i32
          %shift_right_arithmetic3A_148 = vector.broadcast %shift_right_arithmetic3A_147 : i32 to vector<16xi32>
          %shift_right_arithmetic3A_149 = arith.shrsi %mul3A_146, %shift_right_arithmetic3A_148 : vector<16xi32>
          %shift_right_arithmetic3A_150 = arith.constant 1 : i32
          %shift_right_arithmetic3A_151 = vector.broadcast %shift_right_arithmetic3A_150 : i32 to vector<16xi32>
          %shift_right_arithmetic3A_152 = arith.shrsi %shift_right_arithmetic3A_149, %shift_right_arithmetic3A_151 : vector<16xi32>
          %mul3A_153 = arith.constant 40 : i32
          %mul3A_154 = vector.broadcast %mul3A_153 : i32 to vector<16xi32>
          %mul3A_155 = arith.muli %shift_right_arithmetic3A_152, %mul3A_154 : vector<16xi32>
          %mul3A_156 = arith.constant 40 : i32
          %mul3A_157 = vector.broadcast %mul3A_156 : i32 to vector<16xi32>
          %mul3A_158 = arith.muli %shift_right_arithmetic3A_149, %mul3A_157 : vector<16xi32>
          %sub3A = arith.subi %get3A_143, %mul3A_158 : vector<16xi32>
          %add3A_159 = arith.addi %mul3A_155, %sub3A : vector<16xi32>
          %and3A_160 = arith.constant 1 : i32
          %and3A_161 = vector.broadcast %and3A_160 : i32 to vector<16xi32>
          %and3A_162 = arith.andi %shift_right_arithmetic3A_149, %and3A_161 : vector<16xi32>
          %eq3A_163 = vector.broadcast %arg0 : i32 to vector<16xi32>
          %eq3A_164 = arith.cmpi eq, %and3A_162, %eq3A_163 : vector<16xi32>
          %jit3A = arith.constant 5000 : i32
          %broadcast_in_dim3A = vector.broadcast %jit3A : i32 to vector<16xi32>
          %select_n3A = arith.select %eq3A_164, %add3A_159, %broadcast_in_dim3A : vector<16xi1>, vector<16xi32>
          %mul3A_165 = arith.constant 16 : i32
          %mul3A_166 = arith.muli %scan3A_135, %mul3A_165 : i32
          %swap3A = arith.index_cast %mul3A_166 : i32 to index
          %swap3A_167 = tpu.vector_load %arg11[%swap3A] {strides = array<i32>} : memref<128xi32, #tpu.memory_space<vmem>>, vector<16xi32>,
          %swap3A_168 = vector.shape_cast %swap3A_167 : vector<16xi32> to vector<16xi32>
          %swap3A_169 = vector.shape_cast %select_n3A : vector<16xi32> to vector<16xi32>
          tpu.vector_store %arg11[%swap3A], %swap3A_169 {strides = array<i32>} : memref<128xi32, #tpu.memory_space<vmem>>, vector<16xi32>,
          %scan3A_170 = arith.constant 0 : i32
          scf.yield %scan3A_170 : i32
        }
        %scan3A_134 = arith.constant 8 : i32
        "tpu.region"() ({
          %run_scoped3A = tpu.sem_alloc : memref<!tpu.dma_semaphore, #tpu.memory_space<semaphore_mem>>
          %dma_start3A_135 = arith.constant 0 : i32
          %dma_start3A_136 = arith.constant 0 : i32
          %dma_start3A_137 = tpu.memref_slice %arg16[%dma_start3A_135, %dma_start3A_136] : memref<5120x128xf32, #tpu.memory_space<vmem_shared>> -> memref<5120x128xf32, #tpu.memory_space<vmem_shared>>
          tpu.enqueue_indirect_dma source(%arg7 : memref<128x128xf32, #tpu.memory_space<vmem>>) target(%dma_start3A_137 : memref<5120x128xf32, #tpu.memory_space<vmem_shared>>) offsets(%arg11 : memref<128xi32, #tpu.memory_space<vmem>>) semaphore(%run_scoped3A : memref<!tpu.dma_semaphore, #tpu.memory_space<semaphore_mem>>) {add = true}
          %dma_wait3A_138 = arith.constant 0 : i32
          %dma_wait3A_139 = arith.constant 0 : i32
          %dma_wait3A_140 = tpu.memref_slice %arg16[%dma_wait3A_138, %dma_wait3A_139] : memref<5120x128xf32, #tpu.memory_space<vmem_shared>> -> memref<5120x128xf32, #tpu.memory_space<vmem_shared>>
          tpu.wait_indirect_dma semaphore(%run_scoped3A : memref<!tpu.dma_semaphore, #tpu.memory_space<semaphore_mem>>) src(%arg7 : memref<128x128xf32, #tpu.memory_space<vmem>>) dst(%dma_wait3A_140 : memref<5120x128xf32, #tpu.memory_space<vmem_shared>>)
          tpu.yield
        }) : () -> ()
      } else {
      }
    } else {
    }
    %barrier3A_97 = arith.constant 0 : index
    tpu.barrier barrier_id(%barrier3A_97)
    %scan3A_98 = arith.constant 0 : i32
    %scan3A_99 = arith.constant 0 : i32
    %scan3A_100 = arith.constant 8 : i32
    %scan3A_101 = arith.addi %scan3A_99, %scan3A_100 : i32
    %scan3A_102 = arith.constant 1 : i32
    %scan3A_103 = scf.for %scan3A_105 = %scan3A_99 to %scan3A_101 step %scan3A_102 iter_args(%scan3A_106 = %scan3A_98) -> (i32)  : i32 {
      %mul3A_107 = arith.constant 16 : i32
      %mul3A_108 = arith.muli %mul3A_107, %scan3A_105 : i32
      %add3A_109 = arith.addi %arg1, %mul3A_108 : i32
      %lt3A_110 = arith.constant 125 : i32
      %lt3A_111 = arith.cmpi slt, %add3A_109, %lt3A_110 : i32
      %convert_element_type3A_112 = arith.extui %lt3A_111 : i1 to i32
      %cond3A_113 = arith.constant 0 : i32
      %cond3A_114 = arith.cmpi ne, %convert_element_type3A_112, %cond3A_113 : i32
      scf.if %cond3A_114 {
        %mul3A_116 = arith.constant 40 : i32
        %mul3A_117 = arith.muli %add3A_109, %mul3A_116 : i32
        %mul3A_118 = arith.constant 2 : i32
        %mul3A_119 = arith.muli %mul3A_118, %add3A_109 : i32
        %add3A_120 = arith.addi %mul3A_119, %arg0 : i32
        %mul3A_121 = arith.constant 40 : i32
        %mul3A_122 = arith.muli %add3A_120, %mul3A_121 : i32
        "tpu.region"() ({
          %run_scoped3A = tpu.sem_alloc : memref<!tpu.dma_semaphore, #tpu.memory_space<semaphore_mem>>
          %dma_start3A_123 = arith.constant 0 : i32
          %dma_start3A_124 = tpu.memref_slice %arg4[%mul3A_122, %dma_start3A_123] : memref<10000x128xf32, #tpu.memory_space<hbm>> -> memref<40x128xf32, #tpu.memory_space<hbm>>
          %dma_start3A_125 = arith.constant 0 : i32
          %dma_start3A_126 = tpu.memref_slice %arg16[%mul3A_117, %dma_start3A_125] : memref<5120x128xf32, #tpu.memory_space<vmem_shared>> -> memref<40x128xf32, #tpu.memory_space<vmem_shared>>
          tpu.enqueue_dma source(%dma_start3A_126 : memref<40x128xf32, #tpu.memory_space<vmem_shared>>) target(%dma_start3A_124 : memref<40x128xf32, #tpu.memory_space<hbm>>) target_semaphore(%run_scoped3A : memref<!tpu.dma_semaphore, #tpu.memory_space<semaphore_mem>>)
          %dma_wait3A_127 = arith.constant 0 : i32
          %dma_wait3A_128 = tpu.memref_slice %arg4[%mul3A_122, %dma_wait3A_127] : memref<10000x128xf32, #tpu.memory_space<hbm>> -> memref<40x128xf32, #tpu.memory_space<hbm>>
          %dma_wait3A_129 = arith.constant 0 : i32
          %dma_wait3A_130 = tpu.memref_slice %arg16[%mul3A_117, %dma_wait3A_129] : memref<5120x128xf32, #tpu.memory_space<vmem_shared>> -> memref<40x128xf32, #tpu.memory_space<vmem_shared>>
          tpu.wait_dma2 semaphore(%run_scoped3A : memref<!tpu.dma_semaphore, #tpu.memory_space<semaphore_mem>>) src(%dma_wait3A_130 : memref<40x128xf32, #tpu.memory_space<vmem_shared>>) dst(%dma_wait3A_128 : memref<40x128xf32, #tpu.memory_space<hbm>>)
          tpu.yield
        }) : () -> ()
      } else {
      }
      %scan3A_115 = arith.constant 0 : i32
      scf.yield %scan3A_115 : i32
    }
    %scan3A_104 = arith.constant 8 : i32
    return
  }
}

</mosaic_0001>

<sc_bundles>
// kernel: kernel.3.cloned.1.call-start
scs
__scs_entry_jumppad:
0x0: {  	(pc) =	sbr.rel $0x88, $3  }
0x1: {  	(tag) =	ssettag $0x0;
	lr =	simm.s32 $0x1  }
0x2: {  	[smem:$0x3F9F] =	sst lr;
	_ =	strace $0xD0000000  }
0x3: {  	_ = 	snop  }
0x4: {  	_ = 	snop  }
0x5: {  	_ = 	snop  }
0x6: {  	_ = 	snop  }
0x7: {  	_ = 	snop  }
__scs_overlays_trampoline_lowered:
0x8: {  	[smem:$0x3FAE] =	sst s0  }
0x9: {  	[smem:$0x3FAF] =	sst s1  }
0xa: {  	[smem:$0x3FB0] =	sst s2  }
0xb: {  	[smem:$0x3FB1] =	sst s3  }
0xc: {  	[smem:$0x3FB2] =	sst s4  }
0xd: {  	[smem:$0x3FB3] =	sst s5  }
0xe: {  	[smem:$0x3FB4] =	sst s6  }
0xf: {  	[smem:$0x3FB5] =	sst s7  }
0x10: {  	[smem:$0x3FB6] =	sst s8  }
0x11: {  	[smem:$0x3FB7] =	sst s9;
	s0 =	simm.s32 @!p0 $0x0  }
0x12: {  	s1 =	sld [smem:$0x3F9D];
	s0 =	simm.s32 @p0 $0x1  }
0x13: {  	[smem:$0x3FB8] =	sst s0;
	s0 =	simm.s32 @!p1 $0x0  }
0x14: {  	s2 =	sld [smem:$0x3F9C];
	s0 =	simm.s32 @p1 $0x1  }
0x15: {  	[smem:$0x3FB9] =	sst s0;
	s0 =	simm.s32 @!p2 $0x0  }
0x16: {  	s3 =	sld [smem:$0x3FDB];
	s0 =	simm.s32 @p2 $0x1  }
0x17: {  	s4 =	simm.s32 $0x1BF5;
	[smem:$0x3FBB] =	sst s0  }
0x18: {  	s0 =	sld [smem:$0x3F9E];
	_ =	swait.ge [sflag:s4], $0x0  }
0x19: {  	s7 =	sld [smem:$0x3F9F]  }
0x1a: {  	s8 =	sadd.s32 $0xFFFFE003, lr  }
0x1b: {  	s9 =	sadd.s32 $0xFFFFFEF7, lr;
	s5 =	simm.s32 $0xFFFFFFFF;
	p2 =	slt.u32 s8, $0xFFFFF086  }
0x1c: {  	p1 =	slt.u32 s9, $0xF7A;
	s5 =	simm.s32 @!p2 $0x0  }
0x1d: {  	s5 =	simm.s32 @p1 $0x1;
	p0 =	seq.s32 s7, s2  }
0x1e: {  	s7 =	smul.u32 @!p0 $0xF7A, s2;
	p2 =	seq.s32 @!p0 s5, $0x0  }
0x1f: {  	s9 =	smul.u32 $0xF7A, s1;
	s8 =	simm.s32 @!p0 $0x1BF5;
	p2 =	por !p2, p0  }
0x20: {  	[sflag:s8] =	ssyncset.s32 @!p0 $0xFFFFF086;
	s6 =	sadd.s32 @!p0 s3, s7;
	s7 =	simm.s32 @!p0 $0x108  }
0x21: {  	s3 =	sadd.s32 s3, s9;
	s6 =	sadd.s32 @!p0 $0x88, s6;
	s7 =	simm.s32 @p2 $0x1082  }
0x22: {  	[simem:s7], [sflag:s8] =	dma.local @!p0 [hbm:s6], $0xF7A  }
0x23: {  	s9 =	sor.u32 $0xD0000000, s2;
	s6 =	simm.s32 $0x108;
	_ =	swait.ge @!p0 [sflag:s8], $0x0  }
0x24: {  	s3 =	sadd.s32 $0x88, s3;
	s6 =	simm.s32 @!p1 $0x1082;
	[sflag:s4] =	ssyncset.s32 $0xFFFFF086  }
0x25: {  	[simem:s6], [sflag:s4] =	dma.local [hbm:s3], $0xF7A  }
0x26: {  	[smem:$0x3F9F] =	sst s1;
	(tag) =	ssettag s2;
	_ =	strace s9  }
0x27: {  	s1 =	sld [smem:$0x3FAF]  }
0x28: {  	s2 =	sld [smem:$0x3FB0]  }
0x29: {  	s4 =	sld [smem:$0x3FB2]  }
0x2a: {  	p0 =	seq.s32 s5, $0x0;
	s5 =	sld [smem:$0x3FB3]  }
0x2b: {  	s6 =	sld [smem:$0x3FB4]  }
0x2c: {  	s7 =	sld [smem:$0x3FB5]  }
0x2d: {  	s3 =	simm.s32 $0x108;
	s8 =	sld [smem:$0x3FB6]  }
0x2e: {  	s3 =	simm.s32 @!p0 $0x1082;
	s9 =	sld [smem:$0x3FB7]  }
0x2f: {  	lr =	sadd.s32 s0, s3;
	s0 =	sld [smem:$0x3FAE]  }
0x30: {  	s3 =	sld [smem:$0x3FB1]  }
0x31: {  	[smem:$0x3FBA] =	sst s10  }
0x32: {  	s10 =	sld [smem:$0x3FB8];
	_ =	sdelay $0x3  }
0x33: {  	p0 =	seq.s32 s10, $0x1;
	s10 =	sld [smem:$0x3FBA];
	_ =	sdelay $0x3  }
0x34: {  	[smem:$0x3FBA] =	sst s10  }
0x35: {  	s10 =	sld [smem:$0x3FB9];
	_ =	sdelay $0x3  }
0x36: {  	p1 =	seq.s32 s10, $0x1;
	s10 =	sld [smem:$0x3FBA];
	_ =	sdelay $0x3  }
0x37: {  	[smem:$0x3FBA] =	sst s10  }
0x38: {  	s10 =	sld [smem:$0x3FBB]  }
0x39: {  	_ = 	snop;
	(pc) =	sbr.ind lr, $3  }
0x3a: {  	_ = 	snop  }
0x3b: {  	_ = 	snop  }
0x3c: {  	p2 =	seq.s32 s10, $0x1;
	s10 =	sld [smem:$0x3FBA]  }
0x3d: {  	_ =	shalt  }
0x3e: {  	_ =	shalt  }
0x3f: {  	_ =	shalt  }
0x40: {  	_ =	shalt  }
0x41: {  	_ =	shalt  }
0x42: {  	_ =	shalt  }
0x43: {  	_ =	shalt  }
0x44: {  	_ =	shalt  }
0x45: {  	_ =	shalt  }
0x46: {  	_ =	shalt  }
0x47: {  	_ =	shalt  }
0x48: {  	_ =	shalt  }
0x49: {  	_ =	shalt  }
0x4a: {  	_ =	shalt  }
0x4b: {  	_ =	shalt  }
0x4c: {  	_ =	shalt  }
0x4d: {  	_ =	shalt  }
0x4e: {  	_ =	shalt  }
0x4f: {  	_ =	shalt  }
0x50: {  	_ =	shalt  }
0x51: {  	_ =	shalt  }
0x52: {  	_ =	shalt  }
0x53: {  	_ =	shalt  }
0x54: {  	_ =	shalt  }
0x55: {  	_ =	shalt  }
0x56: {  	_ =	shalt  }
0x57: {  	_ =	shalt  }
0x58: {  	_ =	shalt  }
0x59: {  	_ =	shalt  }
0x5a: {  	_ =	shalt  }
0x5b: {  	_ =	shalt  }
0x5c: {  	_ =	shalt  }
0x5d: {  	_ =	shalt  }
0x5e: {  	_ =	shalt  }
0x5f: {  	_ =	shalt  }
0x60: {  	_ =	shalt  }
0x61: {  	_ =	shalt  }
0x62: {  	_ =	shalt  }
0x63: {  	_ =	shalt  }
0x64: {  	_ =	shalt  }
0x65: {  	_ =	shalt  }
0x66: {  	_ =	shalt  }
0x67: {  	_ =	shalt  }
0x68: {  	_ =	shalt  }
0x69: {  	_ =	shalt  }
0x6a: {  	_ =	shalt  }
0x6b: {  	_ =	shalt  }
0x6c: {  	_ =	shalt  }
0x6d: {  	_ =	shalt  }
0x6e: {  	_ =	shalt  }
0x6f: {  	_ =	shalt  }
0x70: {  	_ =	shalt  }
0x71: {  	_ =	shalt  }
0x72: {  	_ =	shalt  }
0x73: {  	_ =	shalt  }
0x74: {  	_ =	shalt  }
0x75: {  	_ =	shalt  }
0x76: {  	_ =	shalt  }
0x77: {  	_ =	shalt  }
0x78: {  	_ =	shalt  }
0x79: {  	_ =	shalt  }
0x7a: {  	_ =	shalt  }
0x7b: {  	_ =	shalt  }
0x7c: {  	_ =	shalt  }
0x7d: {  	_ =	shalt  }
0x7e: {  	_ =	shalt  }
0x7f: {  	_ =	shalt  }
0x80: {  	_ =	shalt  }
0x81: {  	_ =	shalt  }
0x82: {  	_ =	shalt  }
0x83: {  	_ =	shalt  }
0x84: {  	_ =	shalt  }
0x85: {  	_ =	shalt  }
0x86: {  	_ =	shalt  }
0x87: {  	_ =	shalt  }
.Lfunc_end0:
.L_simem_size_0:
called_computation_lowered:
.L_overlay_start_0:
0x88: {  	s2 =	sld [smem:$0x3FD9]  }
0x89: {  	s3 =	sld [smem:$0x3FFE];
	_ =	sdelay $0x1  }
0x8a: {  	s1 =	srdreg.scid  }
0x8b: {  	s0 =	sand.u32 $0x1, s1  }
0x8c: {  	s18 =	sshll.u32 s0, $0xA;
	s2 =	sadd.s32 s3, s2  }
0x8d: {  	s2 =	sadd.s32 s2, s18  }
0x8e: {  	[smem:$0x3FC6] =	sst s2  }
0x8f: {  	_ = 	snop  }
0x90: {  	s2 =	sld [smem:$0x3FC9]  }
0x91: {  	s19 =	sld [smem:$0x3FC8]  }
0x92: {  	s4 =	sld [smem:$0x3FD0];
	(tm) =	ssettm $0x1  }
0x93: {  	s5 =	sld [smem:$0x3FFB];
	_ =	sdelay $0x3  }
0x94: {  	_ =	strace s5  }
0x95: {  	s5 =	sld [smem:$0x3FFC];
	_ =	sdelay $0x3  }
0x96: {  	_ =	strace s5  }
0x97: {  	s5 =	sld [smem:$0x3FFD];
	_ =	sdelay $0x3  }
0x98: {  	_ =	strace s5  }
0x99: {  	_ =	strace $0x8FFFFFFF  }
0x9a: {  	s20 =	sld [smem:$0x3FDB];
	_ =	sdelay $0x1  }
0x9b: {  	s6 =	simm.s32 $_scs_section_size  }
0x9c: {  	s7 =	simm.s32 $_size__tile_overlayer_lowered;
	s8 =	simm.s32 $_tile_overlayer_lowered  }
0x9d: {  	s23 =	simm.s32 $0x1BFF;
	s22 =	sshll.u32 s8, $0x1;
	s5 =	sadd.s32 s6, s20  }
0x9e: {  	s9 =	simm.s32 $0x0;
	s21 =	sshll.u32 s7, $0x1;
	s7 =	sadd.s32 s22, s5  }
0x9f: {  	[timem:s9], [sflag:s23] =	dma.local [hbm:s7], s21  }
0xa0: {  	_ =	swait.ge [sflag:s23], s21  }
0xa1: {  	s6 =	ssub.s32 $0x0, s21;
	[sflag:s23] =	ssyncset.done $0x0  }
0xa2: {  	[sflag:s23] =	ssyncadd.s32 s6;
	_ =	sdelay $0x1  }
0xa3: {  	s24 =	simm.s32 $0x1B8B  }
0xa4: {  	_ =	swait.ge [sflag:s24], $0x1  }
0xa5: {  	[sflag:s24] =	ssyncset.done $0x0  }
0xa6: {  	s25 =	simm.s32 $0x1B8E;
	[sflag:s24] =	ssyncadd.s32 $0xFFFFFFFF  }
0xa7: {  	s26 =	simm.s32 $execute0_lowered;
	[smem:$0x3FD2] =	sst s25  }
0xa8: {  	s6 =	sshll.u32 s26, $0x1;
	_ =	strace $0x80000046;
	[dreg:$0x1] =	wrdreg $0xFFFFFFFF  }
0xa9: {  	s28 =	simm.s32 $_size_execute0_lowered;
	s5 =	sadd.s32 s5, s6;
	[dreg:$0x0] =	wrdreg $0x0  }
0xaa: {  	s6 =	sshll.u32 s28, $0x1;
	[dreg:$0x2] =	wrdreg s5  }
0xab: {  	[dreg:$0x3] =	wrdreg s6  }
0xac: {  	[dreg:$0x4] =	wrdreg $0xC0  }
0xad: {  	_ =	task [dreg:s9], $0x5FFFF  }
0xae: {  	[dreg:$0x1] =	wrdreg $0xFFFFFFFF  }
0xaf: {  	[dreg:$0x0] =	wrdreg $0x60  }
0xb0: {  	[dreg:$0x2] =	wrdreg s2  }
0xb1: {  	[dreg:$0x3] =	wrdreg s19  }
0xb2: {  	[dreg:$0x4] =	wrdreg s4  }
0xb3: {  	[dreg:$0x5] =	wrdreg $0x150800  }
0xb4: {  	[dreg:$0x6] =	wrdreg $0x9  }
0xb5: {  	_ =	task.clear_ibuf [dreg:s9], $0x7FFFF;
	_ =	strace $0x90000046  }
0xb6: {  	s29 =	simm.s32 $0x9;
	_ =	strace $0x80000048  }
0xb7: {  	_ =	swait.ge [sflag:s29], $0x1  }
0xb8: {  	[sflag:s29] =	ssyncadd.s32 $0xFFFFFFFF  }
0xb9: {  	_ =	strace $0x90000048  }
0xba: {  	_ =	sfence  }
0xbb: {  	s30 =	sld [smem:$0x0];
	_ =	sdelay $0x2  }
0xbc: {  	s31 =	sshll.u32 s1, $0xD;
	s1 =	sshrl.u32 s1, $0x2  }
0xbd: {  	s3 =	sand.u32 $0x4000, s31;
	s1 =	sadd.s32 s1, s30  }
0xbe: {  	s0 =	sor.u32 s3, s0;
	s1 =	sshll.u32 s1, $0x11  }
0xbf: {  	s0 =	sor.u32 s1, s0  }
0xc0: {  	s0 =	sadd.s32 $0x8F2B, s0  }
0xc1: {  	[sflag:s0] =	ssyncadd.remote.s32 $0x1  }
0xc2: {  	_ =	sfence.sel $0xFFFF  }
0xc3: {  	[dreg:$0x0] =	wrdreg $0xFFFFFFFF;
	(pc) =	sbr.abs _section_cstart, $3  }
0xc4: {  	[dreg:$0x1] =	wrdreg $0xFFFFFFFF  }
0xc5: {  	_ =	task.clear_ibuf [dreg:s9], $0x2FFFF;
	_ =	strace $0x9FFFFFFF  }
0xc6: {  	(tm) =	ssettm $0x7FFFFFFF  }
0xc7: {  	_ =	shalt  }
tec
execute0_lowered:
.L_overlay_start_1:
0x0: {  	(tag) =	ssettag $0x1  }
0x1: {  	s0 =	rddreg [dreg:$0x0]  }
0x2: {  	s1 =	rddreg [dreg:$0x1]  }
0x3: {  	s4 =	rddreg [dreg:$0x2]  }
0x4: {  	s2 =	srdreg.scid;
	s3 =	rddreg [dreg:$0x3]  }
0x5: {  	s7 =	simm.s32 $0x0;
	s19 =	stileid.u32;
	s31 =	simm.s32 $0x4E80  }
0x6: {  	s2 =	sand.u32 $0x1, s2;
	[smem:$0x7FF] =	sst s7;
	s21 =	smul.u32 $0x9C0, s19  }
0x7: {  	s22 =	sshll.u32 s19, $0x1;
	s8 =	sor.u32 $0x10, s19;
	s9 =	sshll.u32 s19, $0x7  }
0x8: {  	s11 =	sor.u32 $0x40, s19;
	s13 =	sor.u32 $0x50, s19;
	s15 =	sor.u32 $0x60, s19  }
0x9: {  	s17 =	sor.u32 $0x70, s19;
	p1 =	sgt.u32 s19, $0x3;
	s30 =	smul.u32 $0x9C, s19  }
0xa: {  	s5 =	ssub.s32 $0x2, s2;
	s7 =	sor.u32 s2, s22;
	s10 =	sshll.u32 s8, $0x1  }
0xb: {  	s9 =	sor.u32 $0x4E000, s9;
	s12 =	sshll.u32 s11, $0x1;
	s14 =	sshll.u32 s13, $0x1  }
0xc: {  	s16 =	sshll.u32 s15, $0x1;
	s18 =	sshll.u32 s17, $0x1;
	s7 =	smul.u32 $0x280, s7  }
0xd: {  	s10 =	sor.u32 s2, s10;
	s20 =	sor.u32 s2, s18;
	s18 =	smul.u32 $0x5000, s11  }
0xe: {  	p0 =	sgt.u32 s17, $0x7C;
	s12 =	sor.u32 s2, s12;
	s10 =	smul.u32 $0x280, s10  }
0xf: {  	s6 =	sshrl.u32 s5, $0x1;
	s14 =	sor.u32 s2, s14;
	s12 =	smul.u32 $0x280, s12  }
0x10: {  	s23 =	sshrl.u32 s9, $0x3;
	s16 =	sor.u32 s2, s16;
	s14 =	smul.u32 $0x280, s14  }
0x11: {  	s11 =	simm.s32 $0xCE80;
	s5 =	ssub.s32 s5, s6;
	s29 =	smul.u32 $0x280, s16  }
0x12: {  	s6 =	sadd.s32 s1, s21;
	s1 =	sadd.s32 s1, s23;
	s22 =	smul.u32 $0x280, s20  }
0x13: {  	s20 =	smul.u32 $0x5000, s13;
	s13 =	simm.s32 $0x15000;
	[dreg:$0x5] =	wrdreg s6  }
0x14: {  	[dreg:$0x6] =	wrdreg s1;
	s24 =	sadd.s32 s4, s7;
	s1 =	sor.u32 $0x20, s19  }
0x15: {  	s7 =	sor.u32 $0x30, s19;
	s5 =	smax.u32 s5, $0x1;
	[dreg:$0x7] =	wrdreg s24  }
0x16: {  	s25 =	sadd.s32 s4, s10;
	s26 =	sshll.u32 s1, $0x1;
	s24 =	smul.u32 $0x28000, s19  }
0x17: {  	s28 =	sshll.u32 s7, $0x1;
	s21 =	sadd.s32 s4, s12;
	s1 =	smul.u32 $0x5000, s1  }
0x18: {  	s23 =	sadd.s32 s4, s14;
	s16 =	smul.u32 $0x5000, s7;
	s7 =	sshrl.u32 s18, $0x2  }
0x19: {  	s12 =	simm.s32 $0x4;
	s18 =	simm.s32 $0x0;
	[dreg:$0x8] =	wrdreg s25  }
0x1a: {  	s6 =	sor.u32 s2, s26;
	[dreg:$0xb] =	wrdreg s21;
	s25 =	smul.u32 $0x5000, s8  }
0x1b: {  	s10 =	sor.u32 s2, s28;
	[dreg:$0xc] =	wrdreg s23;
	s28 =	smul.u32 $0x5000, s19  }
0x1c: {  	s26 =	sshll.u32 s9, $0x4;
	s21 =	smul.u32 $0x5000, s15;
	s7 =	sadd.s32 s7, s3  }
0x1d: {  	s8 =	sshrl.u32 s20, $0x2;
	s15 =	simm.s32 $0x9;
	s6 =	smul.u32 $0x280, s6  }
0x1e: {  	s10 =	smul.u32 $0x280, s10;
	s1 =	sshrl.u32 s1, $0x2;
	s8 =	sadd.s32 s8, s3  }
0x1f: {  	s14 =	sshrl.u32 s28, $0x2;
	s1 =	sadd.s32 s1, s3;
	s6 =	sadd.s32 s4, s6  }
0x20: {  	s9 =	sshrl.u32 s21, $0x2;
	s10 =	sadd.s32 s4, s10;
	[dreg:$0x9] =	wrdreg s6  }
0x21: {  	s9 =	sadd.s32 s9, s3;
	s1 =	sshrl.u32 s1, $0x3;
	[dreg:$0xa] =	wrdreg s10  }
0x22: {  	s6 =	sadd.s32 s4, s29;
	s4 =	sadd.s32 s4, s22;
	s10 =	sadd.s32 s0, s26  }
0x23: {  	s22 =	smul.u32 $0x5000, s17;
	s26 =	sshrl.u32 s9, $0x3;
	[dreg:$0xd] =	wrdreg s6  }
0x24: {  	s9 =	simm.s32 $0x3;
	[dreg:$0xe] =	wrdreg s4;
	s6 =	sshrl.u32 s24, $0x2  }
0x25: {  	s4 =	sshrl.u32 s25, $0x2;
	_ =	strace $0x80000047;
	[dreg:$0x10] =	wrdreg s10  }
0x26: {  	s24 =	sshrl.u32 s7, $0x3;
	s25 =	sshrl.u32 s8, $0x3;
	[dreg:$0x11] =	wrdreg s5  }
0x27: {  	s7 =	simm.s32 $0x14F00;
	s8 =	simm.s32 $0x8E80;
	[dreg:$0x14] =	wrdreg s1  }
0x28: {  	s29 =	sadd.s32 s6, s3;
	s5 =	sadd.s32 s14, s3;
	[dreg:$0x16] =	wrdreg s24  }
0x29: {  	s4 =	sadd.s32 s4, s3;
	s6 =	sshrl.u32 s16, $0x2;
	[dreg:$0x17] =	wrdreg s25  }
0x2a: {  	s10 =	sshrl.u32 s22, $0x2;
	[dreg:$0x18] =	wrdreg s26;
	s14 =	simm.s32 $0x10E80  }
0x2b: {  	s6 =	sadd.s32 s6, s3;
	s5 =	sshrl.u32 s5, $0x3;
	[dreg:$0xf] =	wrdreg s29  }
0x2c: {  	s10 =	sadd.s32 s10, s3;
	s4 =	sshrl.u32 s4, $0x3;
	[dreg:$0x12] =	wrdreg s5  }
.Ltmp0:
0x2d: {  	s28 =	sadd.s32 $0x4000, s29;
	[dreg:$0x13] =	wrdreg s4;
	(pc) =	sbr.rel .LBB2_1-.Ltmp0, $4  }
0x2e: {  	s29 =	sadd.s32 $0x8000, s29;
	s23 =	sshrl.u32 s6, $0x3;
	[dreg:$0x1a] =	wrdreg s28  }
0x2f: {  	s1 =	sshrl.u32 @!p0 s10, $0x3;
	[dreg:$0x1b] =	wrdreg s29;
	s5 =	simm.s32 $0x80  }
0x30: {  	s4 =	simm.s32 $0x14E80;
	s6 =	simm.s32 $0x2;
	[dreg:$0x15] =	wrdreg s23  }
0x31: {  	v1 =	vimm.f32 $0.0e+00;
	v0 =	vmov s2;
	s10 =	simm.s32 $0x14F80;
	[dreg:$0x19] =	wrdreg s1;
	s1 =	simm.s32 $0x1  }
.LBB2_15:
0x32: {  	s16 =	simm.s32 @!p2 $0x5  }
0x33: {  	_ =	swait.ge @!p2 [sflag:s16], $0x4000  }
0x34: {  	[sflag:s16] =	ssyncset.done @!p2 $0x0  }
0x35: {  	[sflag:s16] =	ssyncadd.s32 @!p2 $0xFFFFC000;
	s16 =	simm.s32 @p3 $0x6  }
0x36: {  	_ =	swait.ge @p3 [sflag:s16], $0x4000  }
0x37: {  	p2 =	slt.s32 s19, $0x3;
	[sflag:s16] =	ssyncset.done @p3 $0x0  }
0x38: {  	[sflag:s16] =	ssyncadd.s32 @p3 $0xFFFFC000;
	s16 =	simm.s32 @!p2 $0x7  }
0x39: {  	p3 =	seq.s32 @!p2 s19, $0x3;
	_ =	swait.ge @!p2 [sflag:s16], $0x4000  }
0x3a: {  	p3 =	por p3, p2;
	[sflag:s16] =	ssyncset.done @!p2 $0x0  }
0x3b: {  	[sflag:s16] =	ssyncadd.s32 @!p2 $0xFFFFC000;
	s16 =	simm.s32 @!p3 $0x8  }
0x3c: {  	_ =	swait.ge @!p3 [sflag:s16], $0x4000  }
0x3d: {  	s17 =	simm.s32 @!p1 $0x4E00;
	[sflag:s16] =	ssyncset.done @!p3 $0x0  }
0x3e: {  	s19 =	rddreg [dreg:$0x6];
	[sflag:s16] =	ssyncadd.s32 @!p3 $0xFFFFC000;
	s16 =	simm.s32 @!p1 $0x0  }
0x3f: {  	[tilespmem:s17], [sflag:$0x9] =	stream.linear.gather @!p1 [hbm4b:s19+s16], $0x80, $0x38;
	[tilespmem:$0x1F080] =	vst v63  }
0x40: {  	s16 =	simm.s32 @!p1 $0x9  }
0x41: {  	_ =	swait.ge @!p1 [sflag:s16], $0x80  }
0x42: {  	[sflag:s16] =	ssyncset.done @!p1 $0x0  }
0x43: {  	[sflag:s16] =	ssyncadd.s32 @!p1 $0xFFFFFF80  }
0x44: {  	v2 =	vld @!p1 [tilespmem:$0x4E00]  }
0x45: {  	v3 =	vld @!p1 [tilespmem:$0x4E70];
	_ =	sdelay $0x3  }
0x46: {  	(v2sf) =	vpush @!p1 v2, $0x0  }
0x47: {  	(v2sf) =	vpush @!p1 v3, $0xF;
	_ =	sdelay $0xd  }
0x48: {  	s16 =	spop @!p1 (v2sf)  }
0x49: {  	s17 =	spop @!p1 (v2sf);
	s16 =	smul.u32 @!p1 $0xCCCD, s16  }
0x4a: {  	s17 =	smul.u32 @!p1 $0xCCCD, s17;
	_ =	sdelay $0x1  }
0x4b: {  	s16 =	sshra.s32 @!p1 s16, $0x15;
	s17 =	sshra.s32 @!p1 s17, $0x15  }
0x4c: {  	p2 =	sgt.s32 @!p1 s17, s16  }
0x4d: {  	s16 =	sand.u32 @!p1 $0x1, s16;
	p3 =	por p2, p1  }
0x4e: {  	p3 =	sne.s32 @!p3 s16, s2  }
0x4f: {  	p2 =	por @!p1 p2, !p3  }
0x50: {  	p2 =	por p1, !p2  }
.Ltmp1:
0x51: {  	_ = 	snop;
	(pc) =	sbr.rel @!p2 .LBB2_16-.Ltmp1, $1  }
0x52: {  	_ =	sdelay $0x3  }
.LBB2_17:
0x53: {  	s16 =	stileid.u32;
	[bflag:$0x0] =	sbarrier.arrive $0xFFFF  }
0x54: {  	s16 =	sshll.u32 s16, $0x6;
	s17 =	rddreg [dreg:$0x7]  }
0x55: {  	s19 =	rddreg [dreg:$0x12];
	s16 =	sor.u32 $0x1C09, s16  }
0x56: {  	[hbm:s17], [sflag:s16] =	dma.local [spmem:s19], $0x280  }
0x57: {  	_ =	swait.ge [sflag:s15], $0x280  }
0x58: {  	[sflag:s15] =	ssyncset.done $0x0;
	s25 =	rddreg [dreg:$0x8]  }
0x59: {  	s26 =	rddreg [dreg:$0x13];
	[sflag:s15] =	ssyncadd.s32 $0xFFFFFD80  }
0x5a: {  	[hbm:s25], [sflag:s16] =	dma.local [spmem:s26], $0x280  }
0x5b: {  	_ =	swait.ge [sflag:s15], $0x280  }
0x5c: {  	[sflag:s15] =	ssyncset.done $0x0;
	s28 =	rddreg [dreg:$0x9]  }
0x5d: {  	s29 =	rddreg [dreg:$0x14];
	[sflag:s15] =	ssyncadd.s32 $0xFFFFFD80  }
0x5e: {  	[hbm:s28], [sflag:s16] =	dma.local [spmem:s29], $0x280  }
0x5f: {  	_ =	swait.ge [sflag:s15], $0x280  }
0x60: {  	[sflag:s15] =	ssyncset.done $0x0;
	s20 =	rddreg [dreg:$0xa]  }
0x61: {  	s21 =	rddreg [dreg:$0x15];
	[sflag:s15] =	ssyncadd.s32 $0xFFFFFD80  }
0x62: {  	[hbm:s20], [sflag:s16] =	dma.local [spmem:s21], $0x280  }
0x63: {  	_ =	swait.ge [sflag:s15], $0x280  }
0x64: {  	[sflag:s15] =	ssyncset.done $0x0;
	s22 =	rddreg [dreg:$0xb]  }
0x65: {  	s23 =	rddreg [dreg:$0x16];
	[sflag:s15] =	ssyncadd.s32 $0xFFFFFD80  }
0x66: {  	[hbm:s22], [sflag:s16] =	dma.local [spmem:s23], $0x280  }
0x67: {  	_ =	swait.ge [sflag:s15], $0x280  }
0x68: {  	[sflag:s15] =	ssyncset.done $0x0;
	s24 =	rddreg [dreg:$0xc]  }
0x69: {  	s25 =	rddreg [dreg:$0x17];
	[sflag:s15] =	ssyncadd.s32 $0xFFFFFD80  }
0x6a: {  	[hbm:s24], [sflag:s16] =	dma.local [spmem:s25], $0x280  }
0x6b: {  	_ =	swait.ge [sflag:s15], $0x280  }
0x6c: {  	[sflag:s15] =	ssyncset.done $0x0;
	s26 =	rddreg [dreg:$0xd]  }
0x6d: {  	s28 =	rddreg [dreg:$0x18];
	[sflag:s15] =	ssyncadd.s32 $0xFFFFFD80  }
0x6e: {  	[hbm:s26], [sflag:s16] =	dma.local [spmem:s28], $0x280  }
0x6f: {  	_ =	swait.ge [sflag:s15], $0x280  }
0x70: {  	[sflag:s15] =	ssyncset.done $0x0;
	s17 =	rddreg [dreg:$0xe]  }
0x71: {  	s19 =	rddreg [dreg:$0x19];
	[sflag:s15] =	ssyncadd.s32 $0xFFFFFD80  }
0x72: {  	[hbm:s17], [sflag:s16] =	dma.local @!p0 [spmem:s19], $0x280  }
0x73: {  	s16 =	simm.s32 @!p0 $0x9  }
0x74: {  	_ =	swait.ge @!p0 [sflag:s16], $0x280  }
0x75: {  	s18 =	sadd.s32 $0x1, s18;
	s29 =	rddreg [dreg:$0x11]  }
0x76: {  	p2 =	sne.s32 s18, s29  }
.Ltmp2:
0x77: {  	_ = 	snop;
	(pc) =	sbr.rel @!p2 .LBB2_18-.Ltmp2, $3  }
0x78: {  	_ =	sdelay $0x1  }
0x79: {  	[sflag:s16] =	ssyncset.done @!p0 $0x0  }
0x7a: {  	[sflag:s16] =	ssyncadd.s32 @!p0 $0xFFFFFD80  }
.LBB2_1:
0x7b: {  	s16 =	simm.s32 $0x0  }
0x7c: {  	s17 =	rddreg [dreg:$0x5];
	s19 =	simm.s32 $0x0;
	s20 =	simm.s32 $0x200  }
0x7d: {  	[tilespmem:s16], [sflag:$0x1] =	stream.linear.gather [hbm4b:s17+s16], $0x4E00, $0x38;
	[tilespmem:$0x1F080] =	vst v63  }
.LBB2_2:
0x7e: {  	p2 =	sne.s32 s20, $0xFE00;
	[tilespmem:s19+$0x4EF0] =	vst v1  }
0x7f: {  	[tilespmem:s19+$0x4E80] =	vst v1  }
0x80: {  	[tilespmem:s19+$0x4E90] =	vst v1  }
.Ltmp3:
0x81: {  	[tilespmem:s19+$0x4EA0] =	vst v1;
	(pc) =	sbr.rel @p2 .LBB2_2-.Ltmp3, $4  }
0x82: {  	[tilespmem:s19+$0x4EB0] =	vst v1  }
0x83: {  	[tilespmem:s19+$0x4EC0] =	vst v1  }
0x84: {  	[tilespmem:s19+$0x4ED0] =	vst v1  }
0x85: {  	[tilespmem:s19+$0x4EE0] =	vst v1;
	s19 =	sshra.s32 s20, $0x2;
	s20 =	sadd.s32 $0x200, s20  }
0x86: {  	[tilespmem:s19+$0x4EF0] =	vst v1  }
0x87: {  	[tilespmem:s19+$0x4E80] =	vst v1  }
0x88: {  	[tilespmem:s19+$0x4E90] =	vst v1  }
0x89: {  	[tilespmem:s19+$0x4EA0] =	vst v1  }
0x8a: {  	[tilespmem:s19+$0x4EB0] =	vst v1  }
0x8b: {  	[tilespmem:s19+$0x4EC0] =	vst v1  }
0x8c: {  	[tilespmem:s19+$0x4ED0] =	vst v1  }
0x8d: {  	[tilespmem:s19+$0x4EE0] =	vst v1;
	s16 =	rddreg [dreg:$0xf]  }
0x8e: {  	[spmem:s16] =	stream.linear.scatter [tilespmem:s31], [sflag:$0x5], $0x4000, $0x38;
	[tilespmem:$0x1F080] =	vst v63  }
0x8f: {  	s23 =	rddreg [dreg:$0x1a]  }
0x90: {  	[spmem:s23] =	stream.linear.scatter [tilespmem:s31], [sflag:$0x5], $0x4000, $0x38;
	[tilespmem:$0x1F080] =	vst v63  }
0x91: {  	s24 =	rddreg [dreg:$0x1b]  }
0x92: {  	[spmem:s24] =	stream.linear.scatter [tilespmem:s31], [sflag:$0x5], $0x2000, $0x38;
	[tilespmem:$0x1F080] =	vst v63  }
0x93: {  	_ =	swait.ge [sflag:s1], $0x4E00  }
0x94: {  	[sflag:s1] =	ssyncset.done $0x0  }
0x95: {  	s25 =	simm.s32 $0x70;
	[sflag:s1] =	ssyncadd.s32 $0xFFFFB200  }
0x96: {  	v2 =	vld [tilespmem:s25+$0x0]  }
0x97: {  	v3 =	vld [tilespmem:s25+$0xFFFFFF90];
	_ =	sdelay $0x3  }
0x98: {  	(v2sf) =	vpush v2, $0xF  }
0x99: {  	(v2sf) =	vpush v3, $0x0;
	_ =	sdelay $0x3  }
0x9a: {  	s26 =	simm.s32 $0xF0  }
0x9b: {  	v2 =	vld [tilespmem:s26+$0x0];
	_ =	sdelay $0x4  }
0x9c: {  	(v2sf) =	vpush v2, $0xF;
	v2 =	vld [tilespmem:s26+$0xFFFFFF90];
	_ =	sdelay $0x3  }
0x9d: {  	s28 =	simm.s32 $0x170;
	s20 =	spop (v2sf)  }
0x9e: {  	v3 =	vld [tilespmem:s28+$0x0];
	s21 =	spop (v2sf);
	(v2sf) =	vpush v2, $0x0  }
0x9f: {  	s29 =	simm.s32 $0x1F0;
	v4 =	vld [tilespmem:s28+$0xFFFFFF90]  }
0xa0: {  	v5 =	vld [tilespmem:s29+$0x0]  }
0xa1: {  	v6 =	vld [tilespmem:s29+$0xFFFFFF90];
	_ =	sdelay $0x1  }
0xa2: {  	(v2sf) =	vpush v3, $0xF  }
0xa3: {  	(v2sf) =	vpush v4, $0x0  }
0xa4: {  	(v2sf) =	vpush v5, $0xF  }
0xa5: {  	(v2sf) =	vpush v6, $0x0  }
0xa6: {  	s23 =	smul.u32 $0xCCCD, s21  }
0xa7: {  	s22 =	simm.s32 $0x0;
	s19 =	simm.s32 $0x2;
	s25 =	smul.u32 $0xCCCD, s20  }
0xa8: {  	s24 =	simm.s32 $0x4;
	s20 =	simm.s32 $0x3;
	s23 =	sshra.s32 s23, $0x15  }
0xa9: {  	s21 =	simm.s32 $0x1;
	s25 =	sshra.s32 s25, $0x15;
	s26 =	sand.u32 $0x1, s23  }
0xaa: {  	p2 =	sgt.s32 s25, s23;
	s25 =	simm.s32 $0x270;
	p3 =	seq.s32 s26, s2  }
0xab: {  	s23 =	simm.s32 $0x0;
	s26 =	spop (v2sf);
	p2 =	por p2, p3  }
.LBB2_4:
0xac: {  	s28 =	spop (v2sf)  }
0xad: {  	s29 =	simm.s32 $0x1;
	s16 =	smov.u32 s24;
	s17 =	smov.u32 s22  }
0xae: {  	v2 =	vld [tilespmem:s25+$0x0];
	s24 =	sadd.s32 $0x1, s24;
	s26 =	smul.u32 $0xCCCD, s26;
	s29 =	simm.s32 @!p2 $0x0  }
0xaf: {  	s28 =	smul.u32 $0xCCCD, s28;
	p3 =	sne.s32 s24, $0x9C;
	v3 =	vld [tilespmem:s25+$0xFFFFFF90];
	s22 =	sadd.s32 s29, s22  }
.Ltmp4:
0xb0: {  	[smem:s17] =	sst @p2 s23;
	(pc) =	sbr.rel @p3 .LBB2_4-.Ltmp4, $4  }
0xb1: {  	s17 =	sshra.s32 s28, $0x15;
	s23 =	smov.u32 s21;
	s21 =	smov.u32 s19  }
0xb2: {  	s26 =	sshra.s32 s26, $0x15;
	s19 =	smov.u32 s20;
	s28 =	sand.u32 $0x1, s17  }
0xb3: {  	s20 =	smov.u32 s16;
	p2 =	sgt.s32 s26, s17;
	p4 =	seq.s32 s28, s2;
	(v2sf) =	vpush v2, $0xF  }
0xb4: {  	s25 =	sadd.s32 $0x80, s25;
	p2 =	por p2, p4;
	(v2sf) =	vpush v3, $0x0;
	s26 =	spop (v2sf)  }
0xb5: {  	_ =	sdelay $0x6  }
0xb6: {  	s16 =	spop (v2sf);
	s17 =	smul.u32 $0xCCCD, s26  }
0xb7: {  	s25 =	simm.s32 $0x1;
	[smem:s22] =	sst @p2 s23;
	s16 =	smul.u32 $0xCCCD, s16  }
0xb8: {  	s24 =	spop (v2sf);
	s25 =	simm.s32 @!p2 $0x0;
	s17 =	sshra.s32 s17, $0x15  }
0xb9: {  	s26 =	spop (v2sf);
	s28 =	smul.u32 $0xCCCD, s24;
	s16 =	sshra.s32 s16, $0x15  }
0xba: {  	p3 =	sgt.s32 s17, s16;
	s16 =	sand.u32 $0x1, s16;
	s17 =	smul.u32 $0xCCCD, s26  }
0xbb: {  	s23 =	simm.s32 $0x1;
	s24 =	sadd.s32 s25, s22;
	p4 =	seq.s32 s16, s2  }
0xbc: {  	s16 =	sshra.s32 s28, $0x15;
	s17 =	sshra.s32 s17, $0x15;
	s29 =	spop (v2sf)  }
0xbd: {  	p2 =	por p3, p4;
	p5 =	sgt.s32 s16, s17;
	s25 =	spop (v2sf)  }
0xbe: {  	s23 =	simm.s32 @!p2 $0x0;
	s17 =	sand.u32 $0x1, s17;
	s16 =	smul.u32 $0xCCCD, s25  }
0xbf: {  	[smem:s24] =	sst @p2 s21;
	s21 =	simm.s32 $0x1;
	s26 =	smul.u32 $0xCCCD, s29  }
0xc0: {  	s23 =	sadd.s32 s23, s24;
	p6 =	seq.s32 s17, s2;
	s16 =	sshra.s32 s16, $0x15  }
0xc1: {  	p2 =	por p5, p6;
	s17 =	sshra.s32 s26, $0x15;
	s28 =	sand.u32 $0x1, s16  }
0xc2: {  	s21 =	simm.s32 @!p2 $0x0;
	p5 =	sgt.s32 s17, s16;
	p6 =	seq.s32 s28, s2  }
0xc3: {  	[smem:s23] =	sst @p2 s19;
	s16 =	sadd.s32 s21, s23;
	p2 =	por p5, p6  }
0xc4: {  	s29 =	simm.s32 $0x5;
	[smem:s16] =	sst @p2 s20  }
0xc5: {  	_ =	swait.ge [sflag:s29], $0x4000  }
0xc6: {  	[sflag:s29] =	ssyncset.done $0x0  }
0xc7: {  	[sflag:s29] =	ssyncadd.s32 $0xFFFFC000  }
0xc8: {  	_ =	swait.ge [sflag:s29], $0x4000  }
0xc9: {  	[sflag:s29] =	ssyncset.done $0x0  }
0xca: {  	[sflag:s29] =	ssyncadd.s32 $0xFFFFC000  }
0xcb: {  	s17 =	simm.s32 $0x1;
	_ =	swait.ge [sflag:s29], $0x2000  }
0xcc: {  	s17 =	simm.s32 @!p2 $0x0;
	[sflag:s29] =	ssyncset.done $0x0  }
0xcd: {  	s19 =	sadd.s32 s17, s16;
	[sflag:s29] =	ssyncadd.s32 $0xFFFFE000  }
0xce: {  	p2 =	slt.s32 s19, $0x1;
	[bflag:$0x0] =	sbarrier.arrive $0xFFFF  }
0xcf: {  	s16 =	sld @!p2 [smem:$0x0];
	_ =	sdelay $0x2  }
0xd0: {  	p3 =	seq.s32 @!p2 s19, $0x1;
	s16 =	sadd.s32 @!p2 s30, s16  }
0xd1: {  	p4 =	por p3, p2;
	s16 =	sshll.u32 @!p2 s16, $0xB  }
0xd2: {  	s17 =	sld @!p4 [smem:$0x1];
	s16 =	sand.u32 @!p2 $0x1FFFF800, s16  }
0xd3: {  	s20 =	simm.s32 @!p2 $0x0;
	s21 =	simm.s32 @!p2 $0x4E80;
	s16 =	sadd.s32 @!p2 s0, s16  }
0xd4: {  	[tilespmem:s21], [sflag:$0x1] =	stream.linear.gather @!p2 [hbm4b:s16+s20], $0x4000, $0x38;
	[tilespmem:$0x1F080] =	vst v63  }
0xd5: {  	s16 =	sadd.s32 @!p4 s30, s17  }
0xd6: {  	s16 =	sshll.u32 @!p4 s16, $0xB  }
0xd7: {  	s17 =	simm.s32 @!p4 $0x0;
	s16 =	sand.u32 @!p4 $0x1FFFF800, s16  }
.Ltmp5:
0xd8: {  	s20 =	simm.s32 @!p4 $0x8E80;
	s16 =	sadd.s32 @!p4 s0, s16;
	(pc) =	sbr.rel .LBB2_6-.Ltmp5, $4  }
0xd9: {  	[tilespmem:s20], [sflag:$0x2] =	stream.linear.gather @!p4 [hbm4b:s16+s17], $0x4000, $0x38;
	[tilespmem:$0x1F080] =	vst v63  }
0xda: {  	p5 =	por @!p2 $0x0, $0x0;
	p3 =	por !p3, p2;
	p4 =	por @!p4 $0x1, $0x1  }
0xdb: {  	p4 =	por @!p3 p5, p5;
	p3 =	por $0x0, $0x0  }
0xdc: {  	s21 =	simm.s32 $0x0;
	s20 =	simm.s32 $0x3;
	p3 =	por @!p2 p4, p4  }
.LBB2_14:
0xdd: {  	p4 =	sne.s32 s22, $0x9C  }
.Ltmp6:
0xde: {  	_ = 	snop;
	(pc) =	sbr.rel @!p4 .LBB2_15-.Ltmp6, $2  }
0xdf: {  	_ =	sdelay $0x2  }
0xe0: {  	s20 =	sadd.s32 $0x4, s20;
	s21 =	smov.u32 s22  }
.LBB2_6:
0xe1: {  	s16 =	sadd.s32 $0x2, s21  }
0xe2: {  	p4 =	sge.s32 s16, s19  }
0xe3: {  	p5 =	seq.s32 @!p4 s21, $0x0  }
0xe4: {  	p5 =	por p5, p4  }
0xe5: {  	s16 =	simm.s32 @!p5 $0x7  }
0xe6: {  	_ =	swait.ge @!p5 [sflag:s16], $0x4000  }
0xe7: {  	[sflag:s16] =	ssyncset.done @!p5 $0x0  }
0xe8: {  	[sflag:s16] =	ssyncadd.s32 @!p5 $0xFFFFC000  }
0xe9: {  	s16 =	sld @!p4 [smem:s20+$0xFFFFFFFF];
	_ =	sdelay $0x1  }
0xea: {  	p5 =	sge.s32 s21, s19  }
.Ltmp7:
0xeb: {  	s16 =	sadd.s32 @!p4 s30, s16;
	(pc) =	sbr.rel @p5 .LBB2_8-.Ltmp7, $4  }
0xec: {  	s16 =	sshll.u32 @!p4 s16, $0xB  }
0xed: {  	s16 =	sand.u32 @!p4 $0x1FFFF800, s16  }
0xee: {  	s17 =	simm.s32 @!p4 $0x0;
	s22 =	simm.s32 @!p4 $0xCE80;
	s16 =	sadd.s32 @!p4 s0, s16  }
0xef: {  	[tilespmem:s22], [sflag:$0x3] =	stream.linear.gather @!p4 [hbm4b:s16+s17], $0x4000, $0x38;
	[tilespmem:$0x1F080] =	vst v63  }
0xf0: {  	_ =	swait.ge [sflag:s1], $0x4000  }
0xf1: {  	[sflag:s1] =	ssyncset.done $0x0  }
0xf2: {  	[sflag:s1] =	ssyncadd.s32 $0xFFFFC000  }
0xf3: {  	s16 =	sld [smem:s20+$0xFFFFFFFD];
	_ =	sdelay $0x2  }
0xf4: {  	s16 =	sshll.u32 s16, $0x9  }
0xf5: {  	s22 =	sshra.s32 s16, $0x2  }
0xf6: {  	v2 =	vld [tilespmem:s22+$0x0];
	_ =	sdelay $0x4  }
0xf7: {  	v3 =	vmul.u32 $0xCCCD, v2;
	_ =	sdelay $0x1  }
0xf8: {  	v4 =	vshra.s32 v3, $0x15  }
0xf9: {  	v3 =	vshra.s32 v3, $0x16;
	v5 =	vmul.u32 $0xFFFFFFD8, v4  }
0xfa: {  	v3 =	vmul.u32 $0x28, v3  }
0xfb: {  	v4 =	vand.u32 $0x1, v4;
	v2 =	vadd.s32 v2, v5  }
0xfc: {  	vm0 =	veq.s32 v4, v0;
	v2 =	vadd.s32 v3, v2  }
0xfd: {  	v2 =	vnsel vm0, $0x1388, v2  }
0xfe: {  	[tilespmem:$0x14E80] =	vst v2  }
0xff: {  	v2 =	vld [tilespmem:s22+$0x10];
	_ =	sdelay $0x4  }
0x100: {  	v3 =	vmul.u32 $0xCCCD, v2;
	_ =	sdelay $0x1  }
0x101: {  	v50 =	vshra.s32 v3, $0x15  }
0x102: {  	v3 =	vshra.s32 v3, $0x16;
	v51 =	vmul.u32 $0xFFFFFFD8, v50  }
0x103: {  	v3 =	vmul.u32 $0x28, v3  }
0x104: {  	v4 =	vand.u32 $0x1, v50;
	v2 =	vadd.s32 v2, v51  }
0x105: {  	vm9 =	veq.s32 v4, v0;
	v2 =	vadd.s32 v3, v2  }
0x106: {  	v2 =	vnsel vm9, $0x1388, v2  }
0x107: {  	[tilespmem:$0x14E90] =	vst v2  }
0x108: {  	v2 =	vld [tilespmem:s22+$0x20];
	_ =	sdelay $0x4  }
0x109: {  	v3 =	vmul.u32 $0xCCCD, v2;
	_ =	sdelay $0x1  }
0x10a: {  	v52 =	vshra.s32 v3, $0x15  }
0x10b: {  	v3 =	vshra.s32 v3, $0x16;
	v53 =	vmul.u32 $0xFFFFFFD8, v52  }
0x10c: {  	v3 =	vmul.u32 $0x28, v3  }
0x10d: {  	v4 =	vand.u32 $0x1, v52;
	v2 =	vadd.s32 v2, v53  }
0x10e: {  	vm10 =	veq.s32 v4, v0;
	v2 =	vadd.s32 v3, v2  }
0x10f: {  	v2 =	vnsel vm10, $0x1388, v2  }
0x110: {  	[tilespmem:$0x14EA0] =	vst v2  }
0x111: {  	v2 =	vld [tilespmem:s22+$0x30];
	_ =	sdelay $0x4  }
0x112: {  	v3 =	vmul.u32 $0xCCCD, v2;
	_ =	sdelay $0x1  }
0x113: {  	v54 =	vshra.s32 v3, $0x15  }
0x114: {  	v3 =	vshra.s32 v3, $0x16;
	v55 =	vmul.u32 $0xFFFFFFD8, v54  }
0x115: {  	v3 =	vmul.u32 $0x28, v3  }
0x116: {  	v4 =	vand.u32 $0x1, v54;
	v2 =	vadd.s32 v2, v55  }
0x117: {  	vm11 =	veq.s32 v4, v0;
	v2 =	vadd.s32 v3, v2  }
0x118: {  	v2 =	vnsel vm11, $0x1388, v2  }
0x119: {  	[tilespmem:$0x14EB0] =	vst v2  }
0x11a: {  	v2 =	vld [tilespmem:s22+$0x40];
	_ =	sdelay $0x4  }
0x11b: {  	v3 =	vmul.u32 $0xCCCD, v2;
	_ =	sdelay $0x1  }
0x11c: {  	v56 =	vshra.s32 v3, $0x15  }
0x11d: {  	v3 =	vshra.s32 v3, $0x16;
	v57 =	vmul.u32 $0xFFFFFFD8, v56  }
0x11e: {  	v3 =	vmul.u32 $0x28, v3  }
0x11f: {  	v4 =	vand.u32 $0x1, v56;
	v2 =	vadd.s32 v2, v57  }
0x120: {  	vm12 =	veq.s32 v4, v0;
	v2 =	vadd.s32 v3, v2  }
0x121: {  	v2 =	vnsel vm12, $0x1388, v2  }
0x122: {  	[tilespmem:$0x14EC0] =	vst v2  }
0x123: {  	v2 =	vld [tilespmem:s22+$0x50];
	_ =	sdelay $0x4  }
0x124: {  	v3 =	vmul.u32 $0xCCCD, v2;
	_ =	sdelay $0x1  }
0x125: {  	v58 =	vshra.s32 v3, $0x15  }
0x126: {  	v3 =	vshra.s32 v3, $0x16;
	v59 =	vmul.u32 $0xFFFFFFD8, v58  }
0x127: {  	v3 =	vmul.u32 $0x28, v3  }
0x128: {  	v4 =	vand.u32 $0x1, v58;
	v2 =	vadd.s32 v2, v59  }
0x129: {  	vm13 =	veq.s32 v4, v0;
	v2 =	vadd.s32 v3, v2  }
0x12a: {  	v2 =	vnsel vm13, $0x1388, v2  }
0x12b: {  	[tilespmem:$0x14ED0] =	vst v2  }
0x12c: {  	v2 =	vld [tilespmem:s22+$0x60];
	_ =	sdelay $0x4  }
0x12d: {  	v3 =	vmul.u32 $0xCCCD, v2;
	_ =	sdelay $0x1  }
0x12e: {  	v60 =	vshra.s32 v3, $0x15  }
0x12f: {  	v3 =	vshra.s32 v3, $0x16;
	v61 =	vmul.u32 $0xFFFFFFD8, v60  }
0x130: {  	v3 =	vmul.u32 $0x28, v3  }
0x131: {  	v4 =	vand.u32 $0x1, v60;
	v2 =	vadd.s32 v2, v61  }
0x132: {  	vm14 =	veq.s32 v4, v0;
	v2 =	vadd.s32 v3, v2  }
0x133: {  	v2 =	vnsel vm14, $0x1388, v2  }
0x134: {  	[tilespmem:$0x14EE0] =	vst v2  }
0x135: {  	v2 =	vld [tilespmem:s22+$0x70];
	_ =	sdelay $0x4  }
0x136: {  	v3 =	vmul.u32 $0xCCCD, v2;
	_ =	sdelay $0x1  }
0x137: {  	v62 =	vshra.s32 v3, $0x15  }
0x138: {  	v3 =	vshra.s32 v3, $0x16;
	v63 =	vmul.u32 $0xFFFFFFD8, v62  }
0x139: {  	v3 =	vmul.u32 $0x28, v3  }
0x13a: {  	v4 =	vand.u32 $0x1, v62;
	v2 =	vadd.s32 v2, v63  }
0x13b: {  	vm15 =	veq.s32 v4, v0;
	v2 =	vadd.s32 v3, v2  }
0x13c: {  	v2 =	vnsel vm15, $0x1388, v2  }
0x13d: {  	[tilespmem:$0x14EF0] =	vst v2  }
0x13e: {  	[spmem:s3] =	stream.indirect.scatter.add.f32 [tilespmem:s31], [sflag:$0x5], $0x80, s4, s5, $0xb8;
	[tilespmem:$0x1F080] =	vst v63  }
.LBB2_8:
0x13f: {  	s16 =	sadd.s32 $0x3, s21  }
0x140: {  	p5 =	sge.s32 s16, s19  }
0x141: {  	p6 =	seq.s32 @!p5 s21, $0x0  }
0x142: {  	p6 =	por p6, p5  }
0x143: {  	s16 =	simm.s32 @!p6 $0x8  }
0x144: {  	_ =	swait.ge @!p6 [sflag:s16], $0x4000  }
0x145: {  	[sflag:s16] =	ssyncset.done @!p6 $0x0  }
0x146: {  	[sflag:s16] =	ssyncadd.s32 @!p6 $0xFFFFC000  }
0x147: {  	s16 =	sld @!p5 [smem:s20+$0x0]  }
0x148: {  	s17 =	sadd.s32 $0x1, s21  }
0x149: {  	p6 =	sge.s32 s17, s19  }
.Ltmp8:
0x14a: {  	s16 =	sadd.s32 @!p5 s30, s16;
	(pc) =	sbr.rel @p6 .LBB2_10-.Ltmp8, $4  }
0x14b: {  	s16 =	sshll.u32 @!p5 s16, $0xB  }
0x14c: {  	s16 =	sand.u32 @!p5 $0x1FFFF800, s16  }
0x14d: {  	s22 =	simm.s32 @!p5 $0x0;
	s23 =	simm.s32 @!p5 $0x10E80;
	s16 =	sadd.s32 @!p5 s0, s16  }
0x14e: {  	[tilespmem:s23], [sflag:$0x4] =	stream.linear.gather @!p5 [hbm4b:s16+s22], $0x4000, $0x38;
	[tilespmem:$0x1F080] =	vst v63  }
0x14f: {  	_ =	swait.ge [sflag:s6], $0x4000  }
0x150: {  	[sflag:s6] =	ssyncset.done $0x0  }
0x151: {  	[sflag:s6] =	ssyncadd.s32 $0xFFFFC000  }
0x152: {  	s16 =	sld [smem:s20+$0xFFFFFFFE];
	_ =	sdelay $0x2  }
0x153: {  	s16 =	sshll.u32 s16, $0x9  }
0x154: {  	s22 =	sshra.s32 s16, $0x2  }
0x155: {  	v2 =	vld [tilespmem:s22+$0x0];
	_ =	sdelay $0x4  }
0x156: {  	v3 =	vmul.u32 $0xCCCD, v2;
	_ =	sdelay $0x1  }
0x157: {  	v4 =	vshra.s32 v3, $0x15  }
0x158: {  	v3 =	vshra.s32 v3, $0x16;
	v5 =	vmul.u32 $0xFFFFFFD8, v4  }
0x159: {  	v3 =	vmul.u32 $0x28, v3  }
0x15a: {  	v4 =	vand.u32 $0x1, v4;
	v2 =	vadd.s32 v2, v5  }
0x15b: {  	vm0 =	veq.s32 v4, v0;
	v2 =	vadd.s32 v3, v2  }
0x15c: {  	v2 =	vnsel vm0, $0x1388, v2  }
0x15d: {  	[tilespmem:$0x14F00] =	vst v2  }
0x15e: {  	v2 =	vld [tilespmem:s22+$0x10];
	_ =	sdelay $0x4  }
0x15f: {  	v3 =	vmul.u32 $0xCCCD, v2;
	_ =	sdelay $0x1  }
0x160: {  	v50 =	vshra.s32 v3, $0x15  }
0x161: {  	v3 =	vshra.s32 v3, $0x16;
	v51 =	vmul.u32 $0xFFFFFFD8, v50  }
0x162: {  	v3 =	vmul.u32 $0x28, v3  }
0x163: {  	v4 =	vand.u32 $0x1, v50;
	v2 =	vadd.s32 v2, v51  }
0x164: {  	vm9 =	veq.s32 v4, v0;
	v2 =	vadd.s32 v3, v2  }
0x165: {  	v2 =	vnsel vm9, $0x1388, v2  }
0x166: {  	[tilespmem:$0x14F10] =	vst v2  }
0x167: {  	v2 =	vld [tilespmem:s22+$0x20];
	_ =	sdelay $0x4  }
0x168: {  	v3 =	vmul.u32 $0xCCCD, v2;
	_ =	sdelay $0x1  }
0x169: {  	v52 =	vshra.s32 v3, $0x15  }
0x16a: {  	v3 =	vshra.s32 v3, $0x16;
	v53 =	vmul.u32 $0xFFFFFFD8, v52  }
0x16b: {  	v3 =	vmul.u32 $0x28, v3  }
0x16c: {  	v4 =	vand.u32 $0x1, v52;
	v2 =	vadd.s32 v2, v53  }
0x16d: {  	vm10 =	veq.s32 v4, v0;
	v2 =	vadd.s32 v3, v2  }
0x16e: {  	v2 =	vnsel vm10, $0x1388, v2  }
0x16f: {  	[tilespmem:$0x14F20] =	vst v2  }
0x170: {  	v2 =	vld [tilespmem:s22+$0x30];
	_ =	sdelay $0x4  }
0x171: {  	v3 =	vmul.u32 $0xCCCD, v2;
	_ =	sdelay $0x1  }
0x172: {  	v54 =	vshra.s32 v3, $0x15  }
0x173: {  	v3 =	vshra.s32 v3, $0x16;
	v55 =	vmul.u32 $0xFFFFFFD8, v54  }
0x174: {  	v3 =	vmul.u32 $0x28, v3  }
0x175: {  	v4 =	vand.u32 $0x1, v54;
	v2 =	vadd.s32 v2, v55  }
0x176: {  	vm11 =	veq.s32 v4, v0;
	v2 =	vadd.s32 v3, v2  }
0x177: {  	v2 =	vnsel vm11, $0x1388, v2  }
0x178: {  	[tilespmem:$0x14F30] =	vst v2  }
0x179: {  	v2 =	vld [tilespmem:s22+$0x40];
	_ =	sdelay $0x4  }
0x17a: {  	v3 =	vmul.u32 $0xCCCD, v2;
	_ =	sdelay $0x1  }
0x17b: {  	v56 =	vshra.s32 v3, $0x15  }
0x17c: {  	v3 =	vshra.s32 v3, $0x16;
	v57 =	vmul.u32 $0xFFFFFFD8, v56  }
0x17d: {  	v3 =	vmul.u32 $0x28, v3  }
0x17e: {  	v4 =	vand.u32 $0x1, v56;
	v2 =	vadd.s32 v2, v57  }
0x17f: {  	vm12 =	veq.s32 v4, v0;
	v2 =	vadd.s32 v3, v2  }
0x180: {  	v2 =	vnsel vm12, $0x1388, v2  }
0x181: {  	[tilespmem:$0x14F40] =	vst v2  }
0x182: {  	v2 =	vld [tilespmem:s22+$0x50];
	_ =	sdelay $0x4  }
0x183: {  	v3 =	vmul.u32 $0xCCCD, v2;
	_ =	sdelay $0x1  }
0x184: {  	v58 =	vshra.s32 v3, $0x15  }
0x185: {  	v3 =	vshra.s32 v3, $0x16;
	v59 =	vmul.u32 $0xFFFFFFD8, v58  }
0x186: {  	v3 =	vmul.u32 $0x28, v3  }
0x187: {  	v4 =	vand.u32 $0x1, v58;
	v2 =	vadd.s32 v2, v59  }
0x188: {  	vm13 =	veq.s32 v4, v0;
	v2 =	vadd.s32 v3, v2  }
0x189: {  	v2 =	vnsel vm13, $0x1388, v2  }
0x18a: {  	[tilespmem:$0x14F50] =	vst v2  }
0x18b: {  	v2 =	vld [tilespmem:s22+$0x60];
	_ =	sdelay $0x4  }
0x18c: {  	v3 =	vmul.u32 $0xCCCD, v2;
	_ =	sdelay $0x1  }
0x18d: {  	v60 =	vshra.s32 v3, $0x15  }
0x18e: {  	v3 =	vshra.s32 v3, $0x16;
	v61 =	vmul.u32 $0xFFFFFFD8, v60  }
0x18f: {  	v3 =	vmul.u32 $0x28, v3  }
0x190: {  	v4 =	vand.u32 $0x1, v60;
	v2 =	vadd.s32 v2, v61  }
0x191: {  	vm14 =	veq.s32 v4, v0;
	v2 =	vadd.s32 v3, v2  }
0x192: {  	v2 =	vnsel vm14, $0x1388, v2  }
0x193: {  	[tilespmem:$0x14F60] =	vst v2  }
0x194: {  	v2 =	vld [tilespmem:s22+$0x70];
	_ =	sdelay $0x4  }
0x195: {  	v3 =	vmul.u32 $0xCCCD, v2;
	_ =	sdelay $0x1  }
0x196: {  	v62 =	vshra.s32 v3, $0x15  }
0x197: {  	v3 =	vshra.s32 v3, $0x16;
	v63 =	vmul.u32 $0xFFFFFFD8, v62  }
0x198: {  	v3 =	vmul.u32 $0x28, v3  }
0x199: {  	v4 =	vand.u32 $0x1, v62;
	v2 =	vadd.s32 v2, v63  }
0x19a: {  	vm15 =	veq.s32 v4, v0;
	v2 =	vadd.s32 v3, v2  }
0x19b: {  	v2 =	vnsel vm15, $0x1388, v2  }
0x19c: {  	[tilespmem:$0x14F70] =	vst v2  }
0x19d: {  	[spmem:s3] =	stream.indirect.scatter.add.f32 [tilespmem:s8], [sflag:$0x6], $0x80, s7, s5, $0xb8;
	[tilespmem:$0x1F080] =	vst v63  }
.LBB2_10:
0x19e: {  	s22 =	sadd.s32 $0x4, s21  }
0x19f: {  	p6 =	sge.s32 s22, s19  }
0x1a0: {  	s16 =	simm.s32 @!p6 $0x5  }
0x1a1: {  	_ =	swait.ge @!p6 [sflag:s16], $0x4000  }
0x1a2: {  	[sflag:s16] =	ssyncset.done @!p6 $0x0  }
0x1a3: {  	[sflag:s16] =	ssyncadd.s32 @!p6 $0xFFFFC000  }
0x1a4: {  	s16 =	sld @!p6 [smem:s20+$0x1];
	_ =	sdelay $0x2  }
.Ltmp9:
0x1a5: {  	s16 =	sadd.s32 @!p6 s30, s16;
	(pc) =	sbr.rel @p4 .LBB2_12-.Ltmp9, $4  }
0x1a6: {  	s16 =	sshll.u32 @!p6 s16, $0xB  }
0x1a7: {  	s16 =	sand.u32 @!p6 $0x1FFFF800, s16  }
0x1a8: {  	s17 =	simm.s32 @!p6 $0x0;
	s23 =	simm.s32 @!p6 $0x4E80;
	s16 =	sadd.s32 @!p6 s0, s16  }
0x1a9: {  	[tilespmem:s23], [sflag:$0x1] =	stream.linear.gather @!p6 [hbm4b:s16+s17], $0x4000, $0x38;
	[tilespmem:$0x1F080] =	vst v63  }
0x1aa: {  	_ =	swait.ge [sflag:s9], $0x4000  }
0x1ab: {  	[sflag:s9] =	ssyncset.done $0x0  }
0x1ac: {  	[sflag:s9] =	ssyncadd.s32 $0xFFFFC000  }
0x1ad: {  	s16 =	sld [smem:s20+$0xFFFFFFFF];
	_ =	sdelay $0x2  }
0x1ae: {  	s16 =	sshll.u32 s16, $0x9  }
0x1af: {  	s23 =	sshra.s32 s16, $0x2  }
0x1b0: {  	v2 =	vld [tilespmem:s23+$0x0];
	_ =	sdelay $0x4  }
0x1b1: {  	v3 =	vmul.u32 $0xCCCD, v2;
	_ =	sdelay $0x1  }
0x1b2: {  	v4 =	vshra.s32 v3, $0x15  }
0x1b3: {  	v3 =	vshra.s32 v3, $0x16;
	v5 =	vmul.u32 $0xFFFFFFD8, v4  }
0x1b4: {  	v3 =	vmul.u32 $0x28, v3  }
0x1b5: {  	v4 =	vand.u32 $0x1, v4;
	v2 =	vadd.s32 v2, v5  }
0x1b6: {  	vm0 =	veq.s32 v4, v0;
	v2 =	vadd.s32 v3, v2  }
0x1b7: {  	v2 =	vnsel vm0, $0x1388, v2  }
0x1b8: {  	[tilespmem:$0x14F80] =	vst v2  }
0x1b9: {  	v2 =	vld [tilespmem:s23+$0x10];
	_ =	sdelay $0x4  }
0x1ba: {  	v3 =	vmul.u32 $0xCCCD, v2;
	_ =	sdelay $0x1  }
0x1bb: {  	v50 =	vshra.s32 v3, $0x15  }
0x1bc: {  	v3 =	vshra.s32 v3, $0x16;
	v51 =	vmul.u32 $0xFFFFFFD8, v50  }
0x1bd: {  	v3 =	vmul.u32 $0x28, v3  }
0x1be: {  	v4 =	vand.u32 $0x1, v50;
	v2 =	vadd.s32 v2, v51  }
0x1bf: {  	vm9 =	veq.s32 v4, v0;
	v2 =	vadd.s32 v3, v2  }
0x1c0: {  	v2 =	vnsel vm9, $0x1388, v2  }
0x1c1: {  	[tilespmem:$0x14F90] =	vst v2  }
0x1c2: {  	v2 =	vld [tilespmem:s23+$0x20];
	_ =	sdelay $0x4  }
0x1c3: {  	v3 =	vmul.u32 $0xCCCD, v2;
	_ =	sdelay $0x1  }
0x1c4: {  	v52 =	vshra.s32 v3, $0x15  }
0x1c5: {  	v3 =	vshra.s32 v3, $0x16;
	v53 =	vmul.u32 $0xFFFFFFD8, v52  }
0x1c6: {  	v3 =	vmul.u32 $0x28, v3  }
0x1c7: {  	v4 =	vand.u32 $0x1, v52;
	v2 =	vadd.s32 v2, v53  }
0x1c8: {  	vm10 =	veq.s32 v4, v0;
	v2 =	vadd.s32 v3, v2  }
0x1c9: {  	v2 =	vnsel vm10, $0x1388, v2  }
0x1ca: {  	[tilespmem:$0x14FA0] =	vst v2  }
0x1cb: {  	v2 =	vld [tilespmem:s23+$0x30];
	_ =	sdelay $0x4  }
0x1cc: {  	v3 =	vmul.u32 $0xCCCD, v2;
	_ =	sdelay $0x1  }
0x1cd: {  	v54 =	vshra.s32 v3, $0x15  }
0x1ce: {  	v3 =	vshra.s32 v3, $0x16;
	v55 =	vmul.u32 $0xFFFFFFD8, v54  }
0x1cf: {  	v3 =	vmul.u32 $0x28, v3  }
0x1d0: {  	v4 =	vand.u32 $0x1, v54;
	v2 =	vadd.s32 v2, v55  }
0x1d1: {  	vm11 =	veq.s32 v4, v0;
	v2 =	vadd.s32 v3, v2  }
0x1d2: {  	v2 =	vnsel vm11, $0x1388, v2  }
0x1d3: {  	[tilespmem:$0x14FB0] =	vst v2  }
0x1d4: {  	v2 =	vld [tilespmem:s23+$0x40];
	_ =	sdelay $0x4  }
0x1d5: {  	v3 =	vmul.u32 $0xCCCD, v2;
	_ =	sdelay $0x1  }
0x1d6: {  	v56 =	vshra.s32 v3, $0x15  }
0x1d7: {  	v3 =	vshra.s32 v3, $0x16;
	v57 =	vmul.u32 $0xFFFFFFD8, v56  }
0x1d8: {  	v3 =	vmul.u32 $0x28, v3  }
0x1d9: {  	v4 =	vand.u32 $0x1, v56;
	v2 =	vadd.s32 v2, v57  }
0x1da: {  	vm12 =	veq.s32 v4, v0;
	v2 =	vadd.s32 v3, v2  }
0x1db: {  	v2 =	vnsel vm12, $0x1388, v2  }
0x1dc: {  	[tilespmem:$0x14FC0] =	vst v2  }
0x1dd: {  	v2 =	vld [tilespmem:s23+$0x50];
	_ =	sdelay $0x4  }
0x1de: {  	v3 =	vmul.u32 $0xCCCD, v2;
	_ =	sdelay $0x1  }
0x1df: {  	v58 =	vshra.s32 v3, $0x15  }
0x1e0: {  	v3 =	vshra.s32 v3, $0x16;
	v59 =	vmul.u32 $0xFFFFFFD8, v58  }
0x1e1: {  	v3 =	vmul.u32 $0x28, v3  }
0x1e2: {  	v4 =	vand.u32 $0x1, v58;
	v2 =	vadd.s32 v2, v59  }
0x1e3: {  	vm13 =	veq.s32 v4, v0;
	v2 =	vadd.s32 v3, v2  }
0x1e4: {  	v2 =	vnsel vm13, $0x1388, v2  }
0x1e5: {  	[tilespmem:$0x14FD0] =	vst v2  }
0x1e6: {  	v2 =	vld [tilespmem:s23+$0x60];
	_ =	sdelay $0x4  }
0x1e7: {  	v3 =	vmul.u32 $0xCCCD, v2;
	_ =	sdelay $0x1  }
0x1e8: {  	v60 =	vshra.s32 v3, $0x15  }
0x1e9: {  	v3 =	vshra.s32 v3, $0x16;
	v61 =	vmul.u32 $0xFFFFFFD8, v60  }
0x1ea: {  	v3 =	vmul.u32 $0x28, v3  }
0x1eb: {  	v4 =	vand.u32 $0x1, v60;
	v2 =	vadd.s32 v2, v61  }
0x1ec: {  	vm14 =	veq.s32 v4, v0;
	v2 =	vadd.s32 v3, v2  }
0x1ed: {  	v2 =	vnsel vm14, $0x1388, v2  }
0x1ee: {  	[tilespmem:$0x14FE0] =	vst v2  }
0x1ef: {  	v2 =	vld [tilespmem:s23+$0x70];
	_ =	sdelay $0x4  }
0x1f0: {  	v3 =	vmul.u32 $0xCCCD, v2;
	_ =	sdelay $0x1  }
0x1f1: {  	v62 =	vshra.s32 v3, $0x15  }
0x1f2: {  	v3 =	vshra.s32 v3, $0x16;
	v63 =	vmul.u32 $0xFFFFFFD8, v62  }
0x1f3: {  	v3 =	vmul.u32 $0x28, v3  }
0x1f4: {  	v4 =	vand.u32 $0x1, v62;
	v2 =	vadd.s32 v2, v63  }
0x1f5: {  	vm15 =	veq.s32 v4, v0;
	v2 =	vadd.s32 v3, v2  }
0x1f6: {  	v2 =	vnsel vm15, $0x1388, v2  }
0x1f7: {  	[tilespmem:$0x14FF0] =	vst v2  }
0x1f8: {  	[spmem:s3] =	stream.indirect.scatter.add.f32 [tilespmem:s11], [sflag:$0x7], $0x80, s10, s5, $0xb8;
	[tilespmem:$0x1F080] =	vst v63  }
.LBB2_12:
0x1f9: {  	s16 =	sadd.s32 $0x5, s21  }
0x1fa: {  	p4 =	sge.s32 s16, s19  }
0x1fb: {  	s16 =	simm.s32 @!p4 $0x6  }
0x1fc: {  	_ =	swait.ge @!p4 [sflag:s16], $0x4000  }
0x1fd: {  	[sflag:s16] =	ssyncset.done @!p4 $0x0  }
0x1fe: {  	[sflag:s16] =	ssyncadd.s32 @!p4 $0xFFFFC000  }
0x1ff: {  	s16 =	sld @!p4 [smem:s20+$0x2];
	_ =	sdelay $0x2  }
.Ltmp10:
0x200: {  	s16 =	sadd.s32 @!p4 s30, s16;
	(pc) =	sbr.rel @p5 .LBB2_14-.Ltmp10, $4  }
0x201: {  	s16 =	sshll.u32 @!p4 s16, $0xB  }
0x202: {  	s16 =	sand.u32 @!p4 $0x1FFFF800, s16  }
0x203: {  	s17 =	simm.s32 @!p4 $0x0;
	s21 =	simm.s32 @!p4 $0x8E80;
	s16 =	sadd.s32 @!p4 s0, s16  }
0x204: {  	[tilespmem:s21], [sflag:$0x2] =	stream.linear.gather @!p4 [hbm4b:s16+s17], $0x4000, $0x38;
	[tilespmem:$0x1F080] =	vst v63  }
0x205: {  	_ =	swait.ge [sflag:s12], $0x4000  }
0x206: {  	[sflag:s12] =	ssyncset.done $0x0  }
0x207: {  	[sflag:s12] =	ssyncadd.s32 $0xFFFFC000  }
0x208: {  	s16 =	sld [smem:s20+$0x0];
	_ =	sdelay $0x2  }
0x209: {  	s16 =	sshll.u32 s16, $0x9  }
0x20a: {  	s21 =	sshra.s32 s16, $0x2  }
0x20b: {  	v2 =	vld [tilespmem:s21+$0x0];
	_ =	sdelay $0x4  }
0x20c: {  	v3 =	vmul.u32 $0xCCCD, v2;
	_ =	sdelay $0x1  }
0x20d: {  	v4 =	vshra.s32 v3, $0x15  }
0x20e: {  	v3 =	vshra.s32 v3, $0x16;
	v5 =	vmul.u32 $0xFFFFFFD8, v4  }
0x20f: {  	v3 =	vmul.u32 $0x28, v3  }
0x210: {  	v4 =	vand.u32 $0x1, v4;
	v2 =	vadd.s32 v2, v5  }
0x211: {  	vm0 =	veq.s32 v4, v0;
	v2 =	vadd.s32 v3, v2  }
0x212: {  	v2 =	vnsel vm0, $0x1388, v2  }
0x213: {  	[tilespmem:$0x15000] =	vst v2  }
0x214: {  	v2 =	vld [tilespmem:s21+$0x10];
	_ =	sdelay $0x4  }
0x215: {  	v3 =	vmul.u32 $0xCCCD, v2;
	_ =	sdelay $0x1  }
0x216: {  	v50 =	vshra.s32 v3, $0x15  }
0x217: {  	v3 =	vshra.s32 v3, $0x16;
	v51 =	vmul.u32 $0xFFFFFFD8, v50  }
0x218: {  	v3 =	vmul.u32 $0x28, v3  }
0x219: {  	v4 =	vand.u32 $0x1, v50;
	v2 =	vadd.s32 v2, v51  }
0x21a: {  	vm9 =	veq.s32 v4, v0;
	v2 =	vadd.s32 v3, v2  }
0x21b: {  	v2 =	vnsel vm9, $0x1388, v2  }
0x21c: {  	[tilespmem:$0x15010] =	vst v2  }
0x21d: {  	v2 =	vld [tilespmem:s21+$0x20];
	_ =	sdelay $0x4  }
0x21e: {  	v3 =	vmul.u32 $0xCCCD, v2;
	_ =	sdelay $0x1  }
0x21f: {  	v52 =	vshra.s32 v3, $0x15  }
0x220: {  	v3 =	vshra.s32 v3, $0x16;
	v53 =	vmul.u32 $0xFFFFFFD8, v52  }
0x221: {  	v3 =	vmul.u32 $0x28, v3  }
0x222: {  	v4 =	vand.u32 $0x1, v52;
	v2 =	vadd.s32 v2, v53  }
0x223: {  	vm10 =	veq.s32 v4, v0;
	v2 =	vadd.s32 v3, v2  }
0x224: {  	v2 =	vnsel vm10, $0x1388, v2  }
0x225: {  	[tilespmem:$0x15020] =	vst v2  }
0x226: {  	v2 =	vld [tilespmem:s21+$0x30];
	_ =	sdelay $0x4  }
0x227: {  	v3 =	vmul.u32 $0xCCCD, v2;
	_ =	sdelay $0x1  }
0x228: {  	v54 =	vshra.s32 v3, $0x15  }
0x229: {  	v3 =	vshra.s32 v3, $0x16;
	v55 =	vmul.u32 $0xFFFFFFD8, v54  }
0x22a: {  	v3 =	vmul.u32 $0x28, v3  }
0x22b: {  	v4 =	vand.u32 $0x1, v54;
	v2 =	vadd.s32 v2, v55  }
0x22c: {  	vm11 =	veq.s32 v4, v0;
	v2 =	vadd.s32 v3, v2  }
0x22d: {  	v2 =	vnsel vm11, $0x1388, v2  }
0x22e: {  	[tilespmem:$0x15030] =	vst v2  }
0x22f: {  	v2 =	vld [tilespmem:s21+$0x40];
	_ =	sdelay $0x4  }
0x230: {  	v3 =	vmul.u32 $0xCCCD, v2;
	_ =	sdelay $0x1  }
0x231: {  	v56 =	vshra.s32 v3, $0x15  }
0x232: {  	v3 =	vshra.s32 v3, $0x16;
	v57 =	vmul.u32 $0xFFFFFFD8, v56  }
0x233: {  	v3 =	vmul.u32 $0x28, v3  }
0x234: {  	v4 =	vand.u32 $0x1, v56;
	v2 =	vadd.s32 v2, v57  }
0x235: {  	vm12 =	veq.s32 v4, v0;
	v2 =	vadd.s32 v3, v2  }
0x236: {  	v2 =	vnsel vm12, $0x1388, v2  }
0x237: {  	[tilespmem:$0x15040] =	vst v2  }
0x238: {  	v2 =	vld [tilespmem:s21+$0x50];
	_ =	sdelay $0x4  }
0x239: {  	v3 =	vmul.u32 $0xCCCD, v2;
	_ =	sdelay $0x1  }
0x23a: {  	v58 =	vshra.s32 v3, $0x15  }
0x23b: {  	v3 =	vshra.s32 v3, $0x16;
	v59 =	vmul.u32 $0xFFFFFFD8, v58  }
0x23c: {  	v3 =	vmul.u32 $0x28, v3  }
0x23d: {  	v4 =	vand.u32 $0x1, v58;
	v2 =	vadd.s32 v2, v59  }
0x23e: {  	vm13 =	veq.s32 v4, v0;
	v2 =	vadd.s32 v3, v2  }
0x23f: {  	v2 =	vnsel vm13, $0x1388, v2  }
0x240: {  	[tilespmem:$0x15050] =	vst v2  }
0x241: {  	v2 =	vld [tilespmem:s21+$0x60];
	_ =	sdelay $0x4  }
0x242: {  	v3 =	vmul.u32 $0xCCCD, v2;
	_ =	sdelay $0x1  }
0x243: {  	v60 =	vshra.s32 v3, $0x15  }
0x244: {  	v3 =	vshra.s32 v3, $0x16;
	v61 =	vmul.u32 $0xFFFFFFD8, v60  }
0x245: {  	v3 =	vmul.u32 $0x28, v3  }
0x246: {  	v4 =	vand.u32 $0x1, v60;
	v2 =	vadd.s32 v2, v61  }
0x247: {  	vm14 =	veq.s32 v4, v0;
	v2 =	vadd.s32 v3, v2  }
0x248: {  	v2 =	vnsel vm14, $0x1388, v2  }
0x249: {  	[tilespmem:$0x15060] =	vst v2  }
0x24a: {  	v2 =	vld [tilespmem:s21+$0x70];
	_ =	sdelay $0x4  }
0x24b: {  	v3 =	vmul.u32 $0xCCCD, v2;
	_ =	sdelay $0x1  }
0x24c: {  	v62 =	vshra.s32 v3, $0x15  }
0x24d: {  	v3 =	vshra.s32 v3, $0x16;
	v63 =	vmul.u32 $0xFFFFFFD8, v62  }
0x24e: {  	v3 =	vmul.u32 $0x28, v3  }
.Ltmp11:
0x24f: {  	v4 =	vand.u32 $0x1, v62;
	v2 =	vadd.s32 v2, v63;
	(pc) =	sbr.rel .LBB2_14-.Ltmp11, $4  }
0x250: {  	vm15 =	veq.s32 v4, v0;
	v2 =	vadd.s32 v3, v2  }
0x251: {  	v2 =	vnsel vm15, $0x1388, v2  }
0x252: {  	[tilespmem:$0x15070] =	vst v2  }
0x253: {  	[spmem:s3] =	stream.indirect.scatter.add.f32 [tilespmem:s14], [sflag:$0x8], $0x80, s13, s5, $0xb8;
	[tilespmem:$0x1F080] =	vst v63  }
.LBB2_16:
0x254: {  	s16 =	simm.s32 $0x0;
	s17 =	rddreg [dreg:$0x10]  }
0x255: {  	[tilespmem:s31], [sflag:$0x9] =	stream.linear.gather [hbm4b:s17+s16], $0x4000, $0x38;
	[tilespmem:$0x1F080] =	vst v63  }
0x256: {  	_ =	swait.ge [sflag:s15], $0x4000  }
0x257: {  	[sflag:s15] =	ssyncset.done $0x0  }
0x258: {  	[sflag:s15] =	ssyncadd.s32 $0xFFFFC000  }
0x259: {  	v2 =	vld [tilespmem:$0x4E00]  }
0x25a: {  	v4 =	vld [tilespmem:$0x4E10]  }
0x25b: {  	v8 =	vld [tilespmem:$0x4E30]  }
0x25c: {  	v12 =	vld [tilespmem:$0x4E40]  }
0x25d: {  	v39 =	vld [tilespmem:$0x4E50]  }
0x25e: {  	v45 =	vld [tilespmem:$0x4E60]  }
0x25f: {  	v14 =	vld [tilespmem:$0x4E70];
	_ =	sdelay $0x2  }
0x260: {  	v3 =	vmul.u32 $0xCCCD, v2  }
0x261: {  	v36 =	vmul.u32 $0xCCCD, v4;
	v38 =	vmul.u32 $0xCCCD, v8;
	v44 =	vmul.u32 $0xCCCD, v12  }
0x262: {  	v47 =	vmul.u32 $0xCCCD, v39;
	v51 =	vmul.u32 $0xCCCD, v45;
	v55 =	vmul.u32 $0xCCCD, v14  }
0x263: {  	v6 =	vshra.s32 v3, $0x15;
	v3 =	vshra.s32 v3, $0x16;
	v37 =	vshra.s32 v36, $0x15  }
0x264: {  	v40 =	vshra.s32 v38, $0x15;
	v46 =	vshra.s32 v44, $0x15;
	v49 =	vshra.s32 v47, $0x15  }
0x265: {  	v52 =	vshra.s32 v51, $0x15;
	v53 =	vshra.s32 v51, $0x16;
	v59 =	vshra.s32 v55, $0x15  }
0x266: {  	v60 =	vshra.s32 v55, $0x16;
	v7 =	vmul.u32 $0xFFFFFFD8, v6;
	v3 =	vmul.u32 $0x28, v3  }
0x267: {  	v6 =	vand.u32 $0x1, v6;
	v9 =	vmul.u32 $0xFFFFFFD8, v37;
	v42 =	vmul.u32 $0xFFFFFFD8, v40  }
0x268: {  	v13 =	vmul.u32 $0xFFFFFFD8, v46;
	v50 =	vmul.u32 $0xFFFFFFD8, v49;
	v54 =	vmul.u32 $0xFFFFFFD8, v52  }
0x269: {  	v5 =	vld [tilespmem:$0x4E20];
	v56 =	vand.u32 $0x1, v49;
	v57 =	vmul.u32 $0x28, v53;
	v61 =	vmul.u32 $0xFFFFFFD8, v59  }
0x26a: {  	v63 =	vand.u32 $0x1, v52;
	vm0 =	veq.s32 v6, v0;
	v6 =	vand.u32 $0x1, v37  }
0x26b: {  	vm13 =	veq.s32 v56, v0;
	vm14 =	veq.s32 v63, v0;
	v2 =	vadd.s32 v2, v7  }
0x26c: {  	v7 =	vshra.s32 v36, $0x16;
	v4 =	vadd.s32 v4, v9;
	vm10 =	veq.s32 v6, v0  }
0x26d: {  	v9 =	vshra.s32 v38, $0x16;
	v8 =	vadd.s32 v8, v42;
	v12 =	vadd.s32 v12, v13  }
0x26e: {  	v58 =	vadd.s32 v45, v54;
	v2 =	vadd.s32 v3, v2;
	v3 =	vmul.u32 $0xCCCD, v5  }
0x26f: {  	v7 =	vmul.u32 $0x28, v7;
	v43 =	vmul.u32 $0x28, v9;
	v9 =	vshra.s32 v44, $0x16  }
0x270: {  	v2 =	vnsel vm0, $0x1388, v2;
	v48 =	vmul.u32 $0x28, v9;
	v10 =	vshra.s32 v3, $0x15  }
0x271: {  	v3 =	vshra.s32 v3, $0x16;
	v4 =	vadd.s32 v7, v4;
	v6 =	vadd.s32 v43, v8  }
0x272: {  	v8 =	vand.u32 $0x1, v46;
	v7 =	vadd.s32 v39, v50;
	v11 =	vmul.u32 $0xFFFFFFD8, v10  }
0x273: {  	v3 =	vmul.u32 $0x28, v3;
	v41 =	vand.u32 $0x1, v10;
	v4 =	vnsel vm10, $0x1388, v4  }
0x274: {  	vm12 =	veq.s32 v8, v0;
	vm1 =	veq.s32 v41, v0;
	v5 =	vadd.s32 v5, v11  }
0x275: {  	[tilespmem:$0x14E80] =	vst v2;
	v11 =	vshra.s32 v47, $0x16;
	v3 =	vadd.s32 v3, v5;
	v5 =	vand.u32 $0x1, v40  }
0x276: {  	[tilespmem:$0x14E90] =	vst v4;
	v11 =	vmul.u32 $0x28, v11;
	v3 =	vnsel vm1, $0x1388, v3;
	vm11 =	veq.s32 v5, v0  }
0x277: {  	v4 =	vmul.u32 $0x28, v60;
	v5 =	vadd.s32 v48, v12;
	v6 =	vnsel vm11, $0x1388, v6;
	[tilespmem:$0x14EA0] =	vst v3  }
0x278: {  	v7 =	vadd.s32 v11, v7;
	v2 =	vnsel vm12, $0x1388, v5;
	v3 =	vadd.s32 v57, v58;
	[tilespmem:$0x14EB0] =	vst v6  }
0x279: {  	v5 =	vand.u32 $0x1, v59;
	v62 =	vnsel vm13, $0x1388, v7;
	[tilespmem:$0x14EC0] =	vst v2;
	v2 =	vadd.s32 v14, v61  }
0x27a: {  	v3 =	vnsel vm14, $0x1388, v3;
	vm15 =	veq.s32 v5, v0;
	[tilespmem:$0x14ED0] =	vst v62;
	v2 =	vadd.s32 v4, v2  }
0x27b: {  	[tilespmem:$0x14EE0] =	vst v3;
	v2 =	vnsel vm15, $0x1388, v2  }
.Ltmp12:
0x27c: {  	[tilespmem:$0x14EF0] =	vst v2;
	(pc) =	sbr.rel .LBB2_17-.Ltmp12, $4  }
0x27d: {  	[spmem:s3] =	stream.indirect.scatter.add.f32 [tilespmem:s31], [sflag:$0x9], $0x80, s4, s5, $0xb8;
	[tilespmem:$0x1F080] =	vst v63  }
0x27e: {  	_ =	swait.ge [sflag:s15], $0x4000  }
0x27f: {  	[sflag:s15] =	ssyncset.done $0x0  }
0x280: {  	[sflag:s15] =	ssyncadd.s32 $0xFFFFC000  }
.LBB2_18:
0x281: {  	_ =	sfence.sel $0x180000  }
0x282: {  	[bflag:$0x0] =	sbarrier.arrive $0xFFFF  }
0x283: {  	_ =	strace $0x90000047  }
0x284: {  	s0 =	stileid.u32;
	[bflag:$0x2] =	sbarrier.arrive $0xFFFF  }
0x285: {  	p0 =	sne.s32 s0, $0x0;
	s0 =	rddreg [dreg:$0x4]  }
0x286: {  	s0 =	sadd.s32 @!p0 $0x100000, s0  }
0x287: {  	[sflag:s0] =	ssyncadd.tile.s32 @!p0 $0x1;
	_ =	shalt  }
.Lfunc_end2:
_tile_overlayer_lowered:
.L_overlay_start_2:
0x288: {  	(tag) =	ssettag $0x2  }
0x289: {  	s0 =	rddreg [dreg:$0x0];
	s2 =	stileid.u32  }
0x28a: {  	s1 =	rddreg [dreg:$0x1];
	p0 =	sne.s32 s2, $0x0  }
0x28b: {  	s3 =	rddreg [dreg:$0x2];
	[bflag:$0x3] =	sbarrier.arrive $0xFFFF;
	s2 =	simm.s32 @!p0 $0x1C09  }
0x28c: {  	[timem:s3], [sflag:s2] =	dma.local @!p0 [hbm:s0], s1  }
0x28d: {  	s0 =	simm.s32 @!p0 $0x9  }
0x28e: {  	_ =	swait.ge @!p0 [sflag:s0], s1  }
0x28f: {  	s1 =	ssub.s32 @!p0 $0x0, s1;
	[sflag:s0] =	ssyncset.done @!p0 $0x0  }
0x290: {  	[sflag:s0] =	ssyncadd.s32 @!p0 s1  }
0x291: {  	[bflag:$0x3] =	sbarrier.arrive $0xFFFF  }
0x292: {  	_ =	shalt  }

</sc_bundles>
